<compile_context>
chip_gen: v7x
topology: tpu7x:2x2x1
jax: 0.10.2.dev20260603
libtpu: 0.0.44.dev20260713+nightly
codegen_flags: <defaults>
</compile_context>

<pallas_src>
import functools

import jax
import jax.numpy as jnp
from jax import lax
from jax.experimental import pallas as pl
from jax.experimental.pallas import tpu as pltpu
from jax.experimental.pallas import tpu_sc as plsc

N_E = 8192
E_DIM = 256
BETA = 0.25

TB = 256
NB = 1024
N_TOK = 8192
N_STEPS = N_TOK // TB
N_CHUNKS = N_E // NB
SEG = 4096


def _dist_argmin_body(z_ref, e_ref, idx_ref, oh_ref, perp_ref,
                      esq_ref, counts_ref):
    i = pl.program_id(0)

    zb = z_ref[...]
    zsq = jnp.sum(zb * zb, axis=1)

    @pl.when(i == 0)
    def _():
        for c in range(N_CHUNKS):
            ec = e_ref[pl.ds(c * NB, NB), :]
            esq_ref[0, pl.ds(c * NB, NB)] = jnp.sum(ec * ec, axis=1)

    n_seg = N_E // SEG
    cpseg = SEG // NB
    rmin = [jnp.full((TB,), jnp.inf, dtype=jnp.float32) for _ in range(n_seg)]
    rarg = [jnp.zeros((TB,), dtype=jnp.int32) for _ in range(n_seg)]
    for c in range(N_CHUNKS):
        ec = e_ref[pl.ds(c * NB, NB), :]
        m = lax.dot_general(zb, ec, (((1,), (1,)), ((), ())),
                            preferred_element_type=jnp.float32)
        esq_c = esq_ref[0, pl.ds(c * NB, NB)]
        d = (zsq[:, None] + esq_c[None, :]) - 2.0 * m
        bm = jnp.min(d, axis=1)
        jj = lax.broadcasted_iota(jnp.int32, (TB, NB), 1) + c * NB
        cand = jnp.where(d == bm[:, None], jj, jnp.int32(2 ** 30))
        barg = jnp.min(cand, axis=1)
        k = c // cpseg
        better = bm < rmin[k]
        rarg[k] = jnp.where(better, barg, rarg[k])
        rmin[k] = jnp.where(better, bm, rmin[k])

    accv = rmin[0].astype(jnp.bfloat16).astype(jnp.float32)
    acci = rarg[0]
    for k in range(1, n_seg):
        wk = rmin[k] < accv
        acci = jnp.where(wk, rarg[k], acci)
        accv = jnp.where(wk, rmin[k], accv).astype(jnp.bfloat16).astype(jnp.float32)
    rarg_final = acci

    idx_ref[0, 0, :] = rarg_final

    lane = lax.broadcasted_iota(jnp.int32, (TB, N_E), 1)
    oh = jnp.where(lane == rarg_final[:, None], jnp.float32(1.0), jnp.float32(0.0))
    oh_ref[...] = oh

    csum = jnp.sum(oh, axis=0)[None, :]

    @pl.when(i == 0)
    def _():
        counts_ref[...] = csum

    @pl.when(i > 0)
    def _():
        counts_ref[...] = counts_ref[...] + csum

    @pl.when(i == N_STEPS - 1)
    def _():
        e_mean = counts_ref[...] * jnp.float32(1.0 / N_TOK)
        ent = jnp.sum(e_mean * jnp.log(e_mean + 1e-10), keepdims=True)
        perp_ref[...] = jnp.exp(-ent)


def _dist_argmin(zf, ew):
    return pl.pallas_call(
        _dist_argmin_body,
        grid=(N_STEPS,),
        in_specs=[
            pl.BlockSpec((TB, E_DIM), lambda i: (i, 0)),
            pl.BlockSpec((N_E, E_DIM), lambda i: (0, 0)),
        ],
        out_specs=[
            pl.BlockSpec((1, 1, TB), lambda i: (i, 0, 0)),
            pl.BlockSpec((TB, N_E), lambda i: (i, 0)),
            pl.BlockSpec((1, 1), lambda i: (0, 0)),
        ],
        out_shape=[
            jax.ShapeDtypeStruct((N_STEPS, 1, TB), jnp.int32),
            jax.ShapeDtypeStruct((N_TOK, N_E), jnp.float32),
            jax.ShapeDtypeStruct((1, 1), jnp.float32),
        ],
        scratch_shapes=[
            pltpu.VMEM((1, N_E), jnp.float32),
            pltpu.VMEM((1, N_E), jnp.float32),
        ],
    )(zf, ew)


@functools.lru_cache(maxsize=1)
def _make_sc_gather():
    info = plsc.get_sparse_core_info()
    nc, ns = info.num_cores, info.num_subcores
    nw = nc * ns
    b_per_w = N_TOK // nw
    mesh = plsc.VectorSubcoreMesh(core_axis_name="c", subcore_axis_name="s")

    @functools.partial(
        pl.kernel, mesh=mesh,
        out_type=jax.ShapeDtypeStruct((N_TOK, E_DIM), jnp.float32),
        scratch_types=[
            pltpu.VMEM((b_per_w,), jnp.int32),
            pltpu.VMEM((b_per_w, E_DIM), jnp.float32),
            pltpu.SemaphoreType.DMA,
        ],
    )
    def gather_rows(table_hbm, idx_hbm, out_hbm, idx_v, rows_v, sem):
        wid = lax.axis_index("s") * nc + lax.axis_index("c")
        base = wid * b_per_w
        pltpu.sync_copy(idx_hbm.at[pl.ds(base, b_per_w)], idx_v)
        pltpu.async_copy(table_hbm.at[idx_v], rows_v, sem).wait()
        pltpu.sync_copy(rows_v, out_hbm.at[pl.ds(base, b_per_w)])

    return gather_rows


def _loss_zq_body(z_ref, zq1_ref, zq_ref, loss_ref, acc_ref):
    i = pl.program_id(0)
    zb = z_ref[...]
    qb = zq1_ref[...]
    diff = qb - zb
    zq_ref[...] = zb + diff
    s = jnp.sum(diff * diff)

    @pl.when(i == 0)
    def _():
        acc_ref[0, 0] = s

    @pl.when(i > 0)
    def _():
        acc_ref[0, 0] = acc_ref[0, 0] + s

    @pl.when(i == N_STEPS - 1)
    def _():
        mse = acc_ref[0, 0] * jnp.float32(1.0 / (N_TOK * E_DIM))
        l = mse + jnp.float32(BETA) * mse
        loss_ref[...] = jnp.full((1, 1), l, dtype=jnp.float32)


def _loss_zq(zf, zq1f):
    return pl.pallas_call(
        _loss_zq_body,
        grid=(N_STEPS,),
        in_specs=[
            pl.BlockSpec((TB, E_DIM), lambda i: (i, 0)),
            pl.BlockSpec((TB, E_DIM), lambda i: (i, 0)),
        ],
        out_specs=[
            pl.BlockSpec((TB, E_DIM), lambda i: (i, 0)),
            pl.BlockSpec((1, 1), lambda i: (0, 0)),
        ],
        out_shape=[
            jax.ShapeDtypeStruct((N_TOK, E_DIM), jnp.float32),
            jax.ShapeDtypeStruct((1, 1), jnp.float32),
        ],
        scratch_shapes=[pltpu.SMEM((1, 1), jnp.float32)],
    )(zf, zq1f)


def kernel(z, embedding_w):
    b, ch, h, w = z.shape
    zp_shape = (b, h, w, ch)
    zf = jnp.transpose(z, (0, 2, 3, 1)).reshape(N_TOK, E_DIM)

    idx3, min_encodings, perp = _dist_argmin(zf, embedding_w)
    idx = idx3.reshape(N_TOK)

    zq1f = _make_sc_gather()(embedding_w, idx)
    zq1f = zq1f.astype(jnp.bfloat16).astype(jnp.float32)

    zqf, loss2 = _loss_zq(zf, zq1f)

    loss = loss2[0, 0]
    perplexity = perp[0, 0]
    min_encoding_indices = idx.reshape(N_TOK, 1)
    z_q = jnp.transpose(zqf.reshape(zp_shape), (0, 3, 1, 2))
    z_q1_out = jnp.transpose(zq1f.reshape(zp_shape), (0, 3, 1, 2))
    return (loss, z_q, perplexity, min_encodings, min_encoding_indices,
            embedding_w, z_q1_out)

# --- scband reference (transcript-rebuilt; emitter-appended) ---
"""Pipeline reference for scband-vector-quantizer1-76261439307887 (READ-ONLY COPY).

The authoritative reference and input builder live on the scoring server;
editing this copy changes nothing except your own understanding.
"""

import jax, jax.numpy as jnp
import numpy as np

N_E = 8192
E_DIM = 256
BETA = 0.25


def setup_inputs(seed: int = 0) -> dict:
    key = jax.random.key(seed)
    k1, k2 = jax.random.split(key)
    z = jax.random.normal(k1, (8, 256, 32, 32), dtype=jnp.float32)
    # learned codebook (torch init fills 1.0 which is degenerate; use small random
    # weights so argmin is nontrivial -- forward math is identical)
    embedding_w = jax.random.normal(k2, (N_E, E_DIM), dtype=jnp.float32) * 0.02
    return {"z": z, "embedding_w": embedding_w}


def reference(z, embedding_w):
    # z: (B, C, H, W) -> (B, H, W, C)
    zp = jnp.transpose(z, (0, 2, 3, 1))
    z_flattened = zp.reshape(-1, E_DIM)
    # squared L2 distance to every codebook entry
    d = (jnp.sum(z_flattened ** 2, axis=1, keepdims=True)
         + jnp.sum(embedding_w ** 2, axis=1)
         - 2.0 * jnp.matmul(z_flattened, embedding_w.T))
    min_encoding_indices = jnp.argmin(d, axis=1)[:, None]
    # scatter_(1, idx, 1) == one-hot
    min_encodings = jax.nn.one_hot(min_encoding_indices[:, 0], N_E, dtype=z_flattened.dtype)
    z_q1 = jnp.matmul(min_encodings, embedding_w).reshape(zp.shape)
    loss = (jnp.mean((z_q1 - zp) ** 2)
            + BETA * jnp.mean((z_q1 - jax.lax.stop_gradient(zp)) ** 2))
    # straight-through estimator
    z_q = zp + (z_q1 - jax.lax.stop_gradient(zp))
    e_mean = jnp.mean(min_encodings, axis=0)
    perplexity = jnp.exp(-jnp.sum(e_mean * jnp.log(e_mean + 1e-10)))
    z_q = jnp.transpose(z_q, (0, 3, 1, 2))
    z_q1_out = jnp.transpose(z_q1, (0, 3, 1, 2))
    return (loss, z_q, perplexity, min_encodings, min_encoding_indices, embedding_w, z_q1_out)

if __name__ == "__main__":
    import jax
    _d = setup_inputs()
    print(jax.jit(kernel)(*tuple(_d.values())))

</pallas_src>

<mosaic_0001>
#map = affine_map<(d0, d1) -> (0, 0)>
#map1 = affine_map<(d0, d1) -> (0)>
module attributes {stable_mosaic.version = 14 : i64} {
  func.func @gather_rows(%arg0: i32, %arg1: i32, %arg2: memref<8192x256xf32, #tpu.memory_space<hbm>>, %arg3: memref<8192xi32, #tpu.memory_space<hbm>>, %arg4: memref<8192x256xf32, #tpu.memory_space<hbm>>, %arg5: memref<256xi32, #tpu.memory_space<vmem>>, %arg6: memref<256x256xf32, #tpu.memory_space<vmem>>, %arg7: memref<!tpu.dma_semaphore, #tpu.memory_space<semaphore_mem>>) attributes {dimension_semantics = [#tpu.dimension_semantics<core_parallel>, #tpu.dimension_semantics<subcore_parallel>], iteration_bounds = array<i64: 2, 16>, scalar_prefetch = 0 : i64, scratch_operands = 3 : i64, tpu.core_type = #tpu.core_type<sc_vector_subcore>, window_params = [{transform_indices = #map}, {transform_indices = #map1}, {transform_indices = #map}]} {
    %mul3A = arith.constant 2 : i32
    %mul3A_0 = arith.muli %arg1, %mul3A : i32
    %add3A = arith.addi %mul3A_0, %arg0 : i32
    %mul3A_1 = arith.constant 256 : i32
    %mul3A_2 = arith.muli %add3A, %mul3A_1 : i32
    "tpu.region"() ({
      %run_scoped3A = tpu.sem_alloc : memref<!tpu.dma_semaphore, #tpu.memory_space<semaphore_mem>>
      %dma_start3A_7 = tpu.memref_slice %arg3[%mul3A_2] : memref<8192xi32, #tpu.memory_space<hbm>> -> memref<256xi32, #tpu.memory_space<hbm>>
      %dma_start3A_8 = tpu.memref_slice %arg3[%mul3A_2] : memref<8192xi32, #tpu.memory_space<hbm>> -> memref<256xi32, #tpu.memory_space<hbm>>
      tpu.enqueue_dma source(%dma_start3A_8 : memref<256xi32, #tpu.memory_space<hbm>>) target(%arg5 : memref<256xi32, #tpu.memory_space<vmem>>) target_semaphore(%run_scoped3A : memref<!tpu.dma_semaphore, #tpu.memory_space<semaphore_mem>>)
      %dma_wait3A_9 = tpu.memref_slice %arg3[%mul3A_2] : memref<8192xi32, #tpu.memory_space<hbm>> -> memref<256xi32, #tpu.memory_space<hbm>>
      %dma_wait3A_10 = tpu.memref_slice %arg3[%mul3A_2] : memref<8192xi32, #tpu.memory_space<hbm>> -> memref<256xi32, #tpu.memory_space<hbm>>
      tpu.wait_dma2 semaphore(%run_scoped3A : memref<!tpu.dma_semaphore, #tpu.memory_space<semaphore_mem>>) src(%dma_wait3A_10 : memref<256xi32, #tpu.memory_space<hbm>>) dst(%arg5 : memref<256xi32, #tpu.memory_space<vmem>>)
      tpu.yield
    }) : () -> ()
    %dma_start3A = arith.constant 0 : i32
    %dma_start3A_3 = arith.constant 0 : i32
    %dma_start3A_4 = tpu.memref_slice %arg2[%dma_start3A, %dma_start3A_3] : memref<8192x256xf32, #tpu.memory_space<hbm>> -> memref<8192x256xf32, #tpu.memory_space<hbm>>
    tpu.enqueue_indirect_dma source(%dma_start3A_4 : memref<8192x256xf32, #tpu.memory_space<hbm>>) target(%arg6 : memref<256x256xf32, #tpu.memory_space<vmem>>) offsets(%arg5 : memref<256xi32, #tpu.memory_space<vmem>>) semaphore(%arg7 : memref<!tpu.dma_semaphore, #tpu.memory_space<semaphore_mem>>)
    %dma_wait3A = arith.constant 0 : i32
    %dma_wait3A_5 = arith.constant 0 : i32
    %dma_wait3A_6 = tpu.memref_slice %arg2[%dma_wait3A, %dma_wait3A_5] : memref<8192x256xf32, #tpu.memory_space<hbm>> -> memref<8192x256xf32, #tpu.memory_space<hbm>>
    tpu.wait_indirect_dma semaphore(%arg7 : memref<!tpu.dma_semaphore, #tpu.memory_space<semaphore_mem>>) src(%dma_wait3A_6 : memref<8192x256xf32, #tpu.memory_space<hbm>>) dst(%arg6 : memref<256x256xf32, #tpu.memory_space<vmem>>)
    "tpu.region"() ({
      %run_scoped3A = tpu.sem_alloc : memref<!tpu.dma_semaphore, #tpu.memory_space<semaphore_mem>>
      %dma_start3A_7 = arith.constant 0 : i32
      %dma_start3A_8 = tpu.memref_slice %arg4[%mul3A_2, %dma_start3A_7] : memref<8192x256xf32, #tpu.memory_space<hbm>> -> memref<256x256xf32, #tpu.memory_space<hbm>>
      %dma_start3A_9 = arith.constant 0 : i32
      %dma_start3A_10 = tpu.memref_slice %arg4[%mul3A_2, %dma_start3A_9] : memref<8192x256xf32, #tpu.memory_space<hbm>> -> memref<256x256xf32, #tpu.memory_space<hbm>>
      tpu.enqueue_dma source(%arg6 : memref<256x256xf32, #tpu.memory_space<vmem>>) target(%dma_start3A_10 : memref<256x256xf32, #tpu.memory_space<hbm>>) target_semaphore(%run_scoped3A : memref<!tpu.dma_semaphore, #tpu.memory_space<semaphore_mem>>)
      %dma_wait3A_11 = arith.constant 0 : i32
      %dma_wait3A_12 = tpu.memref_slice %arg4[%mul3A_2, %dma_wait3A_11] : memref<8192x256xf32, #tpu.memory_space<hbm>> -> memref<256x256xf32, #tpu.memory_space<hbm>>
      %dma_wait3A_13 = arith.constant 0 : i32
      %dma_wait3A_14 = tpu.memref_slice %arg4[%mul3A_2, %dma_wait3A_13] : memref<8192x256xf32, #tpu.memory_space<hbm>> -> memref<256x256xf32, #tpu.memory_space<hbm>>
      tpu.wait_dma2 semaphore(%run_scoped3A : memref<!tpu.dma_semaphore, #tpu.memory_space<semaphore_mem>>) src(%arg6 : memref<256x256xf32, #tpu.memory_space<vmem>>) dst(%dma_wait3A_14 : memref<256x256xf32, #tpu.memory_space<hbm>>)
      tpu.yield
    }) : () -> ()
    return
  }
}

module attributes {stable_mosaic.version = 14 : i64} {
  func.func @_loss_zq_body(%arg0: i32, %arg1: memref<256x256xf32, #tpu.memory_space<vmem>>, %arg2: memref<256x256xf32, #tpu.memory_space<vmem>>, %arg3: memref<256x256xf32, #tpu.memory_space<vmem>>, %arg4: memref<1x1xf32, #tpu.memory_space<vmem>>, %arg5: memref<1x1xf32, #tpu.memory_space<smem>>) attributes {dimension_semantics = [#tpu.dimension_semantics<arbitrary>], iteration_bounds = array<i64: 32>, scalar_prefetch = 0 : i64, scratch_operands = 1 : i64, tpu.core_type = #tpu.core_type<tc>, window_params = [{transform_indices = @transform_0, window_bounds = array<i64: 256, 256>}, {transform_indices = @transform_1, window_bounds = array<i64: 256, 256>}, {transform_indices = @transform_2, window_bounds = array<i64: 256, 256>}, {pipeline_mode = #tpu.pipeline_mode<synchronous>, transform_indices = @transform_3, window_bounds = array<i64: 1, 1>}]} {
    %get3A = arith.constant 0 : index
    %get3A_0 = arith.constant 0 : index
    %get3A_1 = vector.load %arg1[%get3A, %get3A_0] : memref<256x256xf32, #tpu.memory_space<vmem>>, vector<256x256xf32>
    %get3A_2 = arith.constant 0 : index
    %get3A_3 = arith.constant 0 : index
    %get3A_4 = vector.load %arg2[%get3A_2, %get3A_3] : memref<256x256xf32, #tpu.memory_space<vmem>>, vector<256x256xf32>
    %sub3A = arith.subf %get3A_4, %get3A_1 : vector<256x256xf32>
    %add3A = arith.addf %get3A_1, %sub3A : vector<256x256xf32>
    %swap3A = arith.constant 0 : index
    %swap3A_5 = arith.constant 0 : index
    %swap3A_6 = vector.load %arg3[%swap3A, %swap3A_5] : memref<256x256xf32, #tpu.memory_space<vmem>>, vector<256x256xf32>
    tpu.vector_store %arg3[%swap3A, %swap3A_5], %add3A {strides = array<i32>} : memref<256x256xf32, #tpu.memory_space<vmem>>, vector<256x256xf32>,
    %mul3A = arith.mulf %sub3A, %sub3A : vector<256x256xf32>
    %reduce_sum3A = vector.shape_cast %mul3A : vector<256x256xf32> to vector<1x256x256xf32>
    %reduce_sum3A_7 = arith.constant dense<0.000000e+00> : vector<1xf32>
    %reduce_sum3A_8 = vector.multi_reduction <add>, %reduce_sum3A, %reduce_sum3A_7 [1, 2] : vector<1x256x256xf32> to vector<1xf32>
    %reduce_sum3A_9 = vector.shape_cast %reduce_sum3A_8 : vector<1xf32> to vector<1x1x1xf32>
    %reduce_sum3A_10 = vector.extract %reduce_sum3A_9[0, 0, 0] : f32 from vector<1x1x1xf32>
    %eq3A = arith.constant 0 : i32
    %eq3A_11 = arith.cmpi eq, %arg0, %eq3A : i32
    %convert_element_type3A = arith.extui %eq3A_11 : i1 to i32
    %cond3A = arith.constant 0 : i32
    %cond3A_12 = arith.cmpi ne, %convert_element_type3A, %cond3A : i32
    scf.if %cond3A_12 {
      %swap3A_22 = arith.constant 0 : index
      %swap3A_23 = arith.constant 0 : index
      %swap3A_24 = memref.load %arg5[%swap3A_22, %swap3A_23] : memref<1x1xf32, #tpu.memory_space<smem>>
      memref.store %reduce_sum3A_10, %arg5[%swap3A_22, %swap3A_23] : memref<1x1xf32, #tpu.memory_space<smem>>
    } else {
    }
    %gt3A = arith.constant 0 : i32
    %gt3A_13 = arith.cmpi sgt, %arg0, %gt3A : i32
    %convert_element_type3A_14 = arith.extui %gt3A_13 : i1 to i32
    %cond3A_15 = arith.constant 0 : i32
    %cond3A_16 = arith.cmpi ne, %convert_element_type3A_14, %cond3A_15 : i32
    scf.if %cond3A_16 {
      %get3A_22 = arith.constant 0 : index
      %get3A_23 = arith.constant 0 : index
      %get3A_24 = memref.load %arg5[%get3A_22, %get3A_23] : memref<1x1xf32, #tpu.memory_space<smem>>
      %add3A_25 = arith.addf %get3A_24, %reduce_sum3A_10 : f32
      %swap3A_26 = arith.constant 0 : index
      %swap3A_27 = arith.constant 0 : index
      %swap3A_28 = memref.load %arg5[%swap3A_26, %swap3A_27] : memref<1x1xf32, #tpu.memory_space<smem>>
      memref.store %add3A_25, %arg5[%swap3A_26, %swap3A_27] : memref<1x1xf32, #tpu.memory_space<smem>>
    } else {
    }
    %eq3A_17 = arith.constant 31 : i32
    %eq3A_18 = arith.cmpi eq, %arg0, %eq3A_17 : i32
    %convert_element_type3A_19 = arith.extui %eq3A_18 : i1 to i32
    %cond3A_20 = arith.constant 0 : i32
    %cond3A_21 = arith.cmpi ne, %convert_element_type3A_19, %cond3A_20 : i32
    scf.if %cond3A_21 {
      %get3A_22 = arith.constant 0 : index
      %get3A_23 = arith.constant 0 : index
      %get3A_24 = memref.load %arg5[%get3A_22, %get3A_23] : memref<1x1xf32, #tpu.memory_space<smem>>
      %mul3A_25 = arith.constant 4.76837158E-7 : f32
      %mul3A_26 = arith.mulf %get3A_24, %mul3A_25 : f32
      %mul3A_27 = arith.constant 2.500000e-01 : f32
      %mul3A_28 = arith.mulf %mul3A_27, %mul3A_26 : f32
      %add3A_29 = arith.addf %mul3A_26, %mul3A_28 : f32
      %broadcast_in_dim3A = vector.broadcast %add3A_29 : f32 to vector<1x1xf32>
      %swap3A_30 = arith.constant 0 : index
      %swap3A_31 = arith.constant 0 : index
      %swap3A_32 = vector.load %arg4[%swap3A_30, %swap3A_31] : memref<1x1xf32, #tpu.memory_space<vmem>>, vector<1x1xf32>
      tpu.vector_store %arg4[%swap3A_30, %swap3A_31], %broadcast_in_dim3A {strides = array<i32>} : memref<1x1xf32, #tpu.memory_space<vmem>>, vector<1x1xf32>,
    } else {
    }
    return
  }
  func.func @transform_0(%arg0: i32) -> (i32, i32) {
    %c0_i32 = arith.constant 0 : i32
    %c0_i32_0 = arith.constant 0 : i32
    return %arg0, %c0_i32 : i32, i32
  }
  func.func @transform_1(%arg0: i32) -> (i32, i32) {
    %c0_i32 = arith.constant 0 : i32
    %c0_i32_0 = arith.constant 0 : i32
    return %arg0, %c0_i32 : i32, i32
  }
  func.func @transform_2(%arg0: i32) -> (i32, i32) {
    %c0_i32 = arith.constant 0 : i32
    %c0_i32_0 = arith.constant 0 : i32
    return %arg0, %c0_i32 : i32, i32
  }
  func.func @transform_3(%arg0: i32) -> (i32, i32) {
    %c0_i32 = arith.constant 0 : i32
    %c0_i32_0 = arith.constant 0 : i32
    %c0_i32_1 = arith.constant 0 : i32
    return %c0_i32, %c0_i32_0 : i32, i32
  }
}

module attributes {stable_mosaic.version = 14 : i64} {
  func.func @_dist_argmin_body(%arg0: i32, %arg1: memref<256x256xf32, #tpu.memory_space<vmem>>, %arg2: memref<8192x256xf32, #tpu.memory_space<vmem>>, %arg3: memref<1x1x256xi32, #tpu.memory_space<vmem>>, %arg4: memref<256x8192xf32, #tpu.memory_space<vmem>>, %arg5: memref<1x1xf32, #tpu.memory_space<vmem>>, %arg6: memref<1x8192xf32, #tpu.memory_space<vmem>>, %arg7: memref<1x8192xf32, #tpu.memory_space<vmem>>) attributes {dimension_semantics = [#tpu.dimension_semantics<arbitrary>], iteration_bounds = array<i64: 32>, scalar_prefetch = 0 : i64, scratch_operands = 2 : i64, tpu.core_type = #tpu.core_type<tc>, window_params = [{transform_indices = @transform_0, window_bounds = array<i64: 256, 256>}, {pipeline_mode = #tpu.pipeline_mode<synchronous>, transform_indices = @transform_1, window_bounds = array<i64: 8192, 256>}, {transform_indices = @transform_2, window_bounds = array<i64: 1, 1, 256>}, {transform_indices = @transform_3, window_bounds = array<i64: 256, 8192>}, {pipeline_mode = #tpu.pipeline_mode<synchronous>, transform_indices = @transform_4, window_bounds = array<i64: 1, 1>}]} {
    %get3A = arith.constant 0 : index
    %get3A_0 = arith.constant 0 : index
    %get3A_1 = vector.load %arg1[%get3A, %get3A_0] : memref<256x256xf32, #tpu.memory_space<vmem>>, vector<256x256xf32>
    %mul3A = arith.mulf %get3A_1, %get3A_1 : vector<256x256xf32>
    %reduce_sum3A = arith.constant dense<0.000000e+00> : vector<256xf32>
    %reduce_sum3A_2 = vector.multi_reduction <add>, %mul3A, %reduce_sum3A [1] : vector<256x256xf32> to vector<256xf32>
    %eq3A = arith.constant 0 : i32
    %eq3A_3 = arith.cmpi eq, %arg0, %eq3A : i32
    %convert_element_type3A = arith.extui %eq3A_3 : i1 to i32
    %cond3A = arith.constant 0 : i32
    %cond3A_4 = arith.cmpi ne, %convert_element_type3A, %cond3A : i32
    scf.if %cond3A_4 {
      %get3A_322 = arith.constant 0 : index
      %get3A_323 = arith.constant 0 : index
      %get3A_324 = vector.load %arg2[%get3A_322, %get3A_323] : memref<8192x256xf32, #tpu.memory_space<vmem>>, vector<1024x256xf32>
      %mul3A_325 = arith.mulf %get3A_324, %get3A_324 : vector<1024x256xf32>
      %reduce_sum3A_326 = arith.constant dense<0.000000e+00> : vector<1024xf32>
      %reduce_sum3A_327 = vector.multi_reduction <add>, %mul3A_325, %reduce_sum3A_326 [1] : vector<1024x256xf32> to vector<1024xf32>
      %swap3A_328 = arith.constant 0 : index
      %swap3A_329 = arith.constant 0 : index
      %swap3A_330 = vector.load %arg6[%swap3A_328, %swap3A_329] : memref<1x8192xf32, #tpu.memory_space<vmem>>, vector<1x1024xf32>
      %swap3A_331 = vector.shape_cast %swap3A_330 : vector<1x1024xf32> to vector<1024xf32>
      %swap3A_332 = vector.shape_cast %reduce_sum3A_327 : vector<1024xf32> to vector<1x1024xf32>
      tpu.vector_store %arg6[%swap3A_328, %swap3A_329], %swap3A_332 {strides = array<i32>} : memref<1x8192xf32, #tpu.memory_space<vmem>>, vector<1x1024xf32>,
      %get3A_333 = arith.constant 1024 : index
      %get3A_334 = arith.constant 0 : index
      %get3A_335 = vector.load %arg2[%get3A_333, %get3A_334] : memref<8192x256xf32, #tpu.memory_space<vmem>>, vector<1024x256xf32>
      %mul3A_336 = arith.mulf %get3A_335, %get3A_335 : vector<1024x256xf32>
      %reduce_sum3A_337 = arith.constant dense<0.000000e+00> : vector<1024xf32>
      %reduce_sum3A_338 = vector.multi_reduction <add>, %mul3A_336, %reduce_sum3A_337 [1] : vector<1024x256xf32> to vector<1024xf32>
      %swap3A_339 = arith.constant 0 : index
      %swap3A_340 = arith.constant 1024 : index
      %swap3A_341 = vector.load %arg6[%swap3A_339, %swap3A_340] : memref<1x8192xf32, #tpu.memory_space<vmem>>, vector<1x1024xf32>
      %swap3A_342 = vector.shape_cast %swap3A_341 : vector<1x1024xf32> to vector<1024xf32>
      %swap3A_343 = vector.shape_cast %reduce_sum3A_338 : vector<1024xf32> to vector<1x1024xf32>
      tpu.vector_store %arg6[%swap3A_339, %swap3A_340], %swap3A_343 {strides = array<i32>} : memref<1x8192xf32, #tpu.memory_space<vmem>>, vector<1x1024xf32>,
      %get3A_344 = arith.constant 2048 : index
      %get3A_345 = arith.constant 0 : index
      %get3A_346 = vector.load %arg2[%get3A_344, %get3A_345] : memref<8192x256xf32, #tpu.memory_space<vmem>>, vector<1024x256xf32>
      %mul3A_347 = arith.mulf %get3A_346, %get3A_346 : vector<1024x256xf32>
      %reduce_sum3A_348 = arith.constant dense<0.000000e+00> : vector<1024xf32>
      %reduce_sum3A_349 = vector.multi_reduction <add>, %mul3A_347, %reduce_sum3A_348 [1] : vector<1024x256xf32> to vector<1024xf32>
      %swap3A_350 = arith.constant 0 : index
      %swap3A_351 = arith.constant 2048 : index
      %swap3A_352 = vector.load %arg6[%swap3A_350, %swap3A_351] : memref<1x8192xf32, #tpu.memory_space<vmem>>, vector<1x1024xf32>
      %swap3A_353 = vector.shape_cast %swap3A_352 : vector<1x1024xf32> to vector<1024xf32>
      %swap3A_354 = vector.shape_cast %reduce_sum3A_349 : vector<1024xf32> to vector<1x1024xf32>
      tpu.vector_store %arg6[%swap3A_350, %swap3A_351], %swap3A_354 {strides = array<i32>} : memref<1x8192xf32, #tpu.memory_space<vmem>>, vector<1x1024xf32>,
      %get3A_355 = arith.constant 3072 : index
      %get3A_356 = arith.constant 0 : index
      %get3A_357 = vector.load %arg2[%get3A_355, %get3A_356] : memref<8192x256xf32, #tpu.memory_space<vmem>>, vector<1024x256xf32>
      %mul3A_358 = arith.mulf %get3A_357, %get3A_357 : vector<1024x256xf32>
      %reduce_sum3A_359 = arith.constant dense<0.000000e+00> : vector<1024xf32>
      %reduce_sum3A_360 = vector.multi_reduction <add>, %mul3A_358, %reduce_sum3A_359 [1] : vector<1024x256xf32> to vector<1024xf32>
      %swap3A_361 = arith.constant 0 : index
      %swap3A_362 = arith.constant 3072 : index
      %swap3A_363 = vector.load %arg6[%swap3A_361, %swap3A_362] : memref<1x8192xf32, #tpu.memory_space<vmem>>, vector<1x1024xf32>
      %swap3A_364 = vector.shape_cast %swap3A_363 : vector<1x1024xf32> to vector<1024xf32>
      %swap3A_365 = vector.shape_cast %reduce_sum3A_360 : vector<1024xf32> to vector<1x1024xf32>
      tpu.vector_store %arg6[%swap3A_361, %swap3A_362], %swap3A_365 {strides = array<i32>} : memref<1x8192xf32, #tpu.memory_space<vmem>>, vector<1x1024xf32>,
      %get3A_366 = arith.constant 4096 : index
      %get3A_367 = arith.constant 0 : index
      %get3A_368 = vector.load %arg2[%get3A_366, %get3A_367] : memref<8192x256xf32, #tpu.memory_space<vmem>>, vector<1024x256xf32>
      %mul3A_369 = arith.mulf %get3A_368, %get3A_368 : vector<1024x256xf32>
      %reduce_sum3A_370 = arith.constant dense<0.000000e+00> : vector<1024xf32>
      %reduce_sum3A_371 = vector.multi_reduction <add>, %mul3A_369, %reduce_sum3A_370 [1] : vector<1024x256xf32> to vector<1024xf32>
      %swap3A_372 = arith.constant 0 : index
      %swap3A_373 = arith.constant 4096 : index
      %swap3A_374 = vector.load %arg6[%swap3A_372, %swap3A_373] : memref<1x8192xf32, #tpu.memory_space<vmem>>, vector<1x1024xf32>
      %swap3A_375 = vector.shape_cast %swap3A_374 : vector<1x1024xf32> to vector<1024xf32>
      %swap3A_376 = vector.shape_cast %reduce_sum3A_371 : vector<1024xf32> to vector<1x1024xf32>
      tpu.vector_store %arg6[%swap3A_372, %swap3A_373], %swap3A_376 {strides = array<i32>} : memref<1x8192xf32, #tpu.memory_space<vmem>>, vector<1x1024xf32>,
      %get3A_377 = arith.constant 5120 : index
      %get3A_378 = arith.constant 0 : index
      %get3A_379 = vector.load %arg2[%get3A_377, %get3A_378] : memref<8192x256xf32, #tpu.memory_space<vmem>>, vector<1024x256xf32>
      %mul3A_380 = arith.mulf %get3A_379, %get3A_379 : vector<1024x256xf32>
      %reduce_sum3A_381 = arith.constant dense<0.000000e+00> : vector<1024xf32>
      %reduce_sum3A_382 = vector.multi_reduction <add>, %mul3A_380, %reduce_sum3A_381 [1] : vector<1024x256xf32> to vector<1024xf32>
      %swap3A_383 = arith.constant 0 : index
      %swap3A_384 = arith.constant 5120 : index
      %swap3A_385 = vector.load %arg6[%swap3A_383, %swap3A_384] : memref<1x8192xf32, #tpu.memory_space<vmem>>, vector<1x1024xf32>
      %swap3A_386 = vector.shape_cast %swap3A_385 : vector<1x1024xf32> to vector<1024xf32>
      %swap3A_387 = vector.shape_cast %reduce_sum3A_382 : vector<1024xf32> to vector<1x1024xf32>
      tpu.vector_store %arg6[%swap3A_383, %swap3A_384], %swap3A_387 {strides = array<i32>} : memref<1x8192xf32, #tpu.memory_space<vmem>>, vector<1x1024xf32>,
      %get3A_388 = arith.constant 6144 : index
      %get3A_389 = arith.constant 0 : index
      %get3A_390 = vector.load %arg2[%get3A_388, %get3A_389] : memref<8192x256xf32, #tpu.memory_space<vmem>>, vector<1024x256xf32>
      %mul3A_391 = arith.mulf %get3A_390, %get3A_390 : vector<1024x256xf32>
      %reduce_sum3A_392 = arith.constant dense<0.000000e+00> : vector<1024xf32>
      %reduce_sum3A_393 = vector.multi_reduction <add>, %mul3A_391, %reduce_sum3A_392 [1] : vector<1024x256xf32> to vector<1024xf32>
      %swap3A_394 = arith.constant 0 : index
      %swap3A_395 = arith.constant 6144 : index
      %swap3A_396 = vector.load %arg6[%swap3A_394, %swap3A_395] : memref<1x8192xf32, #tpu.memory_space<vmem>>, vector<1x1024xf32>
      %swap3A_397 = vector.shape_cast %swap3A_396 : vector<1x1024xf32> to vector<1024xf32>
      %swap3A_398 = vector.shape_cast %reduce_sum3A_393 : vector<1024xf32> to vector<1x1024xf32>
      tpu.vector_store %arg6[%swap3A_394, %swap3A_395], %swap3A_398 {strides = array<i32>} : memref<1x8192xf32, #tpu.memory_space<vmem>>, vector<1x1024xf32>,
      %get3A_399 = arith.constant 7168 : index
      %get3A_400 = arith.constant 0 : index
      %get3A_401 = vector.load %arg2[%get3A_399, %get3A_400] : memref<8192x256xf32, #tpu.memory_space<vmem>>, vector<1024x256xf32>
      %mul3A_402 = arith.mulf %get3A_401, %get3A_401 : vector<1024x256xf32>
      %reduce_sum3A_403 = arith.constant dense<0.000000e+00> : vector<1024xf32>
      %reduce_sum3A_404 = vector.multi_reduction <add>, %mul3A_402, %reduce_sum3A_403 [1] : vector<1024x256xf32> to vector<1024xf32>
      %swap3A_405 = arith.constant 0 : index
      %swap3A_406 = arith.constant 7168 : index
      %swap3A_407 = vector.load %arg6[%swap3A_405, %swap3A_406] : memref<1x8192xf32, #tpu.memory_space<vmem>>, vector<1x1024xf32>
      %swap3A_408 = vector.shape_cast %swap3A_407 : vector<1x1024xf32> to vector<1024xf32>
      %swap3A_409 = vector.shape_cast %reduce_sum3A_404 : vector<1024xf32> to vector<1x1024xf32>
      tpu.vector_store %arg6[%swap3A_405, %swap3A_406], %swap3A_409 {strides = array<i32>} : memref<1x8192xf32, #tpu.memory_space<vmem>>, vector<1x1024xf32>,
    } else {
    }
    %broadcast_in_dim3A = arith.constant 0x7F800000 : f32
    %broadcast_in_dim3A_5 = vector.broadcast %broadcast_in_dim3A : f32 to vector<256xf32>
    %broadcast_in_dim3A_6 = arith.constant 0x7F800000 : f32
    %broadcast_in_dim3A_7 = vector.broadcast %broadcast_in_dim3A_6 : f32 to vector<256xf32>
    %broadcast_in_dim3A_8 = arith.constant 0 : i32
    %broadcast_in_dim3A_9 = vector.broadcast %broadcast_in_dim3A_8 : i32 to vector<256xi32>
    %broadcast_in_dim3A_10 = arith.constant 0 : i32
    %broadcast_in_dim3A_11 = vector.broadcast %broadcast_in_dim3A_10 : i32 to vector<256xi32>
    %get3A_12 = arith.constant 0 : index
    %get3A_13 = arith.constant 0 : index
    %get3A_14 = vector.load %arg2[%get3A_12, %get3A_13] : memref<8192x256xf32, #tpu.memory_space<vmem>>, vector<1024x256xf32>
    %dot_general3A = arith.constant dense<0.000000e+00> : vector<256x1024xf32>
    %dot_general3A_15 = tpu.matmul %get3A_1, %get3A_14, %dot_general3A {dimension_numbers = #tpu.dot_dimension_numbers<[1], [1], [0], [0], [0, 0, 1, 0], [], []>, transpose_lhs_hint = false} : vector<256x256xf32>, vector<1024x256xf32>, vector<256x1024xf32> -> vector<256x1024xf32>
    %get3A_16 = arith.constant 0 : index
    %get3A_17 = arith.constant 0 : index
    %get3A_18 = vector.load %arg6[%get3A_16, %get3A_17] : memref<1x8192xf32, #tpu.memory_space<vmem>>, vector<1x1024xf32>
    %get3A_19 = vector.shape_cast %get3A_18 : vector<1x1024xf32> to vector<1024xf32>
    %broadcast_in_dim3A_20 = vector.shape_cast %reduce_sum3A_2 : vector<256xf32> to vector<256x1xf32>
    %broadcast_in_dim3A_21 = vector.shape_cast %get3A_19 : vector<1024xf32> to vector<1x1024xf32>
    %add3A = vector.broadcast %broadcast_in_dim3A_20 : vector<256x1xf32> to vector<256x1024xf32>
    %add3A_22 = vector.broadcast %broadcast_in_dim3A_21 : vector<1x1024xf32> to vector<256x1024xf32>
    %add3A_23 = arith.addf %add3A, %add3A_22 : vector<256x1024xf32>
    %mul3A_24 = arith.constant 2.000000e+00 : f32
    %mul3A_25 = vector.broadcast %mul3A_24 : f32 to vector<256x1024xf32>
    %mul3A_26 = arith.mulf %mul3A_25, %dot_general3A_15 : vector<256x1024xf32>
    %sub3A = arith.subf %add3A_23, %mul3A_26 : vector<256x1024xf32>
    %reduce_min3A = arith.constant dense<0x7F800000> : vector<256xf32>
    %reduce_min3A_27 = vector.multi_reduction <minimumf>, %sub3A, %reduce_min3A [1] : vector<256x1024xf32> to vector<256xf32>
    %iota3A = tpu.iota {dimensions = array<i32: 1>} : vector<256x1024xi32>
    %add3A_28 = arith.constant 0 : i32
    %add3A_29 = vector.broadcast %add3A_28 : i32 to vector<256x1024xi32>
    %add3A_30 = arith.addi %iota3A, %add3A_29 : vector<256x1024xi32>
    %broadcast_in_dim3A_31 = vector.shape_cast %reduce_min3A_27 : vector<256xf32> to vector<256x1xf32>
    %eq3A_32 = vector.broadcast %broadcast_in_dim3A_31 : vector<256x1xf32> to vector<256x1024xf32>
    %eq3A_33 = arith.cmpf oeq, %sub3A, %eq3A_32 : vector<256x1024xf32>
    %jit3A = arith.constant 1073741824 : i32
    %broadcast_in_dim3A_34 = vector.broadcast %jit3A : i32 to vector<256x1024xi32>
    %select_n3A = arith.select %eq3A_33, %add3A_30, %broadcast_in_dim3A_34 : vector<256x1024xi1>, vector<256x1024xi32>
    %reduce_min3A_35 = arith.constant dense<2147483647> : vector<256xi32>
    %reduce_min3A_36 = vector.multi_reduction <minsi>, %select_n3A, %reduce_min3A_35 [1] : vector<256x1024xi32> to vector<256xi32>
    %lt3A = arith.cmpf olt, %reduce_min3A_27, %broadcast_in_dim3A_5 : vector<256xf32>
    %select_n3A_37 = arith.select %lt3A, %reduce_min3A_36, %broadcast_in_dim3A_9 : vector<256xi1>, vector<256xi32>
    %select_n3A_38 = arith.select %lt3A, %reduce_min3A_27, %broadcast_in_dim3A_5 : vector<256xi1>, vector<256xf32>
    %get3A_39 = arith.constant 1024 : index
    %get3A_40 = arith.constant 0 : index
    %get3A_41 = vector.load %arg2[%get3A_39, %get3A_40] : memref<8192x256xf32, #tpu.memory_space<vmem>>, vector<1024x256xf32>
    %dot_general3A_42 = arith.constant dense<0.000000e+00> : vector<256x1024xf32>
    %dot_general3A_43 = tpu.matmul %get3A_1, %get3A_41, %dot_general3A_42 {dimension_numbers = #tpu.dot_dimension_numbers<[1], [1], [0], [0], [0, 0, 1, 0], [], []>, transpose_lhs_hint = false} : vector<256x256xf32>, vector<1024x256xf32>, vector<256x1024xf32> -> vector<256x1024xf32>
    %get3A_44 = arith.constant 0 : index
    %get3A_45 = arith.constant 1024 : index
    %get3A_46 = vector.load %arg6[%get3A_44, %get3A_45] : memref<1x8192xf32, #tpu.memory_space<vmem>>, vector<1x1024xf32>
    %get3A_47 = vector.shape_cast %get3A_46 : vector<1x1024xf32> to vector<1024xf32>
    %broadcast_in_dim3A_48 = vector.shape_cast %reduce_sum3A_2 : vector<256xf32> to vector<256x1xf32>
    %broadcast_in_dim3A_49 = vector.shape_cast %get3A_47 : vector<1024xf32> to vector<1x1024xf32>
    %add3A_50 = vector.broadcast %broadcast_in_dim3A_48 : vector<256x1xf32> to vector<256x1024xf32>
    %add3A_51 = vector.broadcast %broadcast_in_dim3A_49 : vector<1x1024xf32> to vector<256x1024xf32>
    %add3A_52 = arith.addf %add3A_50, %add3A_51 : vector<256x1024xf32>
    %mul3A_53 = arith.constant 2.000000e+00 : f32
    %mul3A_54 = vector.broadcast %mul3A_53 : f32 to vector<256x1024xf32>
    %mul3A_55 = arith.mulf %mul3A_54, %dot_general3A_43 : vector<256x1024xf32>
    %sub3A_56 = arith.subf %add3A_52, %mul3A_55 : vector<256x1024xf32>
    %reduce_min3A_57 = arith.constant dense<0x7F800000> : vector<256xf32>
    %reduce_min3A_58 = vector.multi_reduction <minimumf>, %sub3A_56, %reduce_min3A_57 [1] : vector<256x1024xf32> to vector<256xf32>
    %iota3A_59 = tpu.iota {dimensions = array<i32: 1>} : vector<256x1024xi32>
    %add3A_60 = arith.constant 1024 : i32
    %add3A_61 = vector.broadcast %add3A_60 : i32 to vector<256x1024xi32>
    %add3A_62 = arith.addi %iota3A_59, %add3A_61 : vector<256x1024xi32>
    %broadcast_in_dim3A_63 = vector.shape_cast %reduce_min3A_58 : vector<256xf32> to vector<256x1xf32>
    %eq3A_64 = vector.broadcast %broadcast_in_dim3A_63 : vector<256x1xf32> to vector<256x1024xf32>
    %eq3A_65 = arith.cmpf oeq, %sub3A_56, %eq3A_64 : vector<256x1024xf32>
    %jit3A_66 = arith.constant 1073741824 : i32
    %broadcast_in_dim3A_67 = vector.broadcast %jit3A_66 : i32 to vector<256x1024xi32>
    %select_n3A_68 = arith.select %eq3A_65, %add3A_62, %broadcast_in_dim3A_67 : vector<256x1024xi1>, vector<256x1024xi32>
    %reduce_min3A_69 = arith.constant dense<2147483647> : vector<256xi32>
    %reduce_min3A_70 = vector.multi_reduction <minsi>, %select_n3A_68, %reduce_min3A_69 [1] : vector<256x1024xi32> to vector<256xi32>
    %lt3A_71 = arith.cmpf olt, %reduce_min3A_58, %select_n3A_38 : vector<256xf32>
    %select_n3A_72 = arith.select %lt3A_71, %reduce_min3A_70, %select_n3A_37 : vector<256xi1>, vector<256xi32>
    %select_n3A_73 = arith.select %lt3A_71, %reduce_min3A_58, %select_n3A_38 : vector<256xi1>, vector<256xf32>
    %get3A_74 = arith.constant 2048 : index
    %get3A_75 = arith.constant 0 : index
    %get3A_76 = vector.load %arg2[%get3A_74, %get3A_75] : memref<8192x256xf32, #tpu.memory_space<vmem>>, vector<1024x256xf32>
    %dot_general3A_77 = arith.constant dense<0.000000e+00> : vector<256x1024xf32>
    %dot_general3A_78 = tpu.matmul %get3A_1, %get3A_76, %dot_general3A_77 {dimension_numbers = #tpu.dot_dimension_numbers<[1], [1], [0], [0], [0, 0, 1, 0], [], []>, transpose_lhs_hint = false} : vector<256x256xf32>, vector<1024x256xf32>, vector<256x1024xf32> -> vector<256x1024xf32>
    %get3A_79 = arith.constant 0 : index
    %get3A_80 = arith.constant 2048 : index
    %get3A_81 = vector.load %arg6[%get3A_79, %get3A_80] : memref<1x8192xf32, #tpu.memory_space<vmem>>, vector<1x1024xf32>
    %get3A_82 = vector.shape_cast %get3A_81 : vector<1x1024xf32> to vector<1024xf32>
    %broadcast_in_dim3A_83 = vector.shape_cast %reduce_sum3A_2 : vector<256xf32> to vector<256x1xf32>
    %broadcast_in_dim3A_84 = vector.shape_cast %get3A_82 : vector<1024xf32> to vector<1x1024xf32>
    %add3A_85 = vector.broadcast %broadcast_in_dim3A_83 : vector<256x1xf32> to vector<256x1024xf32>
    %add3A_86 = vector.broadcast %broadcast_in_dim3A_84 : vector<1x1024xf32> to vector<256x1024xf32>
    %add3A_87 = arith.addf %add3A_85, %add3A_86 : vector<256x1024xf32>
    %mul3A_88 = arith.constant 2.000000e+00 : f32
    %mul3A_89 = vector.broadcast %mul3A_88 : f32 to vector<256x1024xf32>
    %mul3A_90 = arith.mulf %mul3A_89, %dot_general3A_78 : vector<256x1024xf32>
    %sub3A_91 = arith.subf %add3A_87, %mul3A_90 : vector<256x1024xf32>
    %reduce_min3A_92 = arith.constant dense<0x7F800000> : vector<256xf32>
    %reduce_min3A_93 = vector.multi_reduction <minimumf>, %sub3A_91, %reduce_min3A_92 [1] : vector<256x1024xf32> to vector<256xf32>
    %iota3A_94 = tpu.iota {dimensions = array<i32: 1>} : vector<256x1024xi32>
    %add3A_95 = arith.constant 2048 : i32
    %add3A_96 = vector.broadcast %add3A_95 : i32 to vector<256x1024xi32>
    %add3A_97 = arith.addi %iota3A_94, %add3A_96 : vector<256x1024xi32>
    %broadcast_in_dim3A_98 = vector.shape_cast %reduce_min3A_93 : vector<256xf32> to vector<256x1xf32>
    %eq3A_99 = vector.broadcast %broadcast_in_dim3A_98 : vector<256x1xf32> to vector<256x1024xf32>
    %eq3A_100 = arith.cmpf oeq, %sub3A_91, %eq3A_99 : vector<256x1024xf32>
    %jit3A_101 = arith.constant 1073741824 : i32
    %broadcast_in_dim3A_102 = vector.broadcast %jit3A_101 : i32 to vector<256x1024xi32>
    %select_n3A_103 = arith.select %eq3A_100, %add3A_97, %broadcast_in_dim3A_102 : vector<256x1024xi1>, vector<256x1024xi32>
    %reduce_min3A_104 = arith.constant dense<2147483647> : vector<256xi32>
    %reduce_min3A_105 = vector.multi_reduction <minsi>, %select_n3A_103, %reduce_min3A_104 [1] : vector<256x1024xi32> to vector<256xi32>
    %lt3A_106 = arith.cmpf olt, %reduce_min3A_93, %select_n3A_73 : vector<256xf32>
    %select_n3A_107 = arith.select %lt3A_106, %reduce_min3A_105, %select_n3A_72 : vector<256xi1>, vector<256xi32>
    %select_n3A_108 = arith.select %lt3A_106, %reduce_min3A_93, %select_n3A_73 : vector<256xi1>, vector<256xf32>
    %get3A_109 = arith.constant 3072 : index
    %get3A_110 = arith.constant 0 : index
    %get3A_111 = vector.load %arg2[%get3A_109, %get3A_110] : memref<8192x256xf32, #tpu.memory_space<vmem>>, vector<1024x256xf32>
    %dot_general3A_112 = arith.constant dense<0.000000e+00> : vector<256x1024xf32>
    %dot_general3A_113 = tpu.matmul %get3A_1, %get3A_111, %dot_general3A_112 {dimension_numbers = #tpu.dot_dimension_numbers<[1], [1], [0], [0], [0, 0, 1, 0], [], []>, transpose_lhs_hint = false} : vector<256x256xf32>, vector<1024x256xf32>, vector<256x1024xf32> -> vector<256x1024xf32>
    %get3A_114 = arith.constant 0 : index
    %get3A_115 = arith.constant 3072 : index
    %get3A_116 = vector.load %arg6[%get3A_114, %get3A_115] : memref<1x8192xf32, #tpu.memory_space<vmem>>, vector<1x1024xf32>
    %get3A_117 = vector.shape_cast %get3A_116 : vector<1x1024xf32> to vector<1024xf32>
    %broadcast_in_dim3A_118 = vector.shape_cast %reduce_sum3A_2 : vector<256xf32> to vector<256x1xf32>
    %broadcast_in_dim3A_119 = vector.shape_cast %get3A_117 : vector<1024xf32> to vector<1x1024xf32>
    %add3A_120 = vector.broadcast %broadcast_in_dim3A_118 : vector<256x1xf32> to vector<256x1024xf32>
    %add3A_121 = vector.broadcast %broadcast_in_dim3A_119 : vector<1x1024xf32> to vector<256x1024xf32>
    %add3A_122 = arith.addf %add3A_120, %add3A_121 : vector<256x1024xf32>
    %mul3A_123 = arith.constant 2.000000e+00 : f32
    %mul3A_124 = vector.broadcast %mul3A_123 : f32 to vector<256x1024xf32>
    %mul3A_125 = arith.mulf %mul3A_124, %dot_general3A_113 : vector<256x1024xf32>
    %sub3A_126 = arith.subf %add3A_122, %mul3A_125 : vector<256x1024xf32>
    %reduce_min3A_127 = arith.constant dense<0x7F800000> : vector<256xf32>
    %reduce_min3A_128 = vector.multi_reduction <minimumf>, %sub3A_126, %reduce_min3A_127 [1] : vector<256x1024xf32> to vector<256xf32>
    %iota3A_129 = tpu.iota {dimensions = array<i32: 1>} : vector<256x1024xi32>
    %add3A_130 = arith.constant 3072 : i32
    %add3A_131 = vector.broadcast %add3A_130 : i32 to vector<256x1024xi32>
    %add3A_132 = arith.addi %iota3A_129, %add3A_131 : vector<256x1024xi32>
    %broadcast_in_dim3A_133 = vector.shape_cast %reduce_min3A_128 : vector<256xf32> to vector<256x1xf32>
    %eq3A_134 = vector.broadcast %broadcast_in_dim3A_133 : vector<256x1xf32> to vector<256x1024xf32>
    %eq3A_135 = arith.cmpf oeq, %sub3A_126, %eq3A_134 : vector<256x1024xf32>
    %jit3A_136 = arith.constant 1073741824 : i32
    %broadcast_in_dim3A_137 = vector.broadcast %jit3A_136 : i32 to vector<256x1024xi32>
    %select_n3A_138 = arith.select %eq3A_135, %add3A_132, %broadcast_in_dim3A_137 : vector<256x1024xi1>, vector<256x1024xi32>
    %reduce_min3A_139 = arith.constant dense<2147483647> : vector<256xi32>
    %reduce_min3A_140 = vector.multi_reduction <minsi>, %select_n3A_138, %reduce_min3A_139 [1] : vector<256x1024xi32> to vector<256xi32>
    %lt3A_141 = arith.cmpf olt, %reduce_min3A_128, %select_n3A_108 : vector<256xf32>
    %select_n3A_142 = arith.select %lt3A_141, %reduce_min3A_140, %select_n3A_107 : vector<256xi1>, vector<256xi32>
    %select_n3A_143 = arith.select %lt3A_141, %reduce_min3A_128, %select_n3A_108 : vector<256xi1>, vector<256xf32>
    %get3A_144 = arith.constant 4096 : index
    %get3A_145 = arith.constant 0 : index
    %get3A_146 = vector.load %arg2[%get3A_144, %get3A_145] : memref<8192x256xf32, #tpu.memory_space<vmem>>, vector<1024x256xf32>
    %dot_general3A_147 = arith.constant dense<0.000000e+00> : vector<256x1024xf32>
    %dot_general3A_148 = tpu.matmul %get3A_1, %get3A_146, %dot_general3A_147 {dimension_numbers = #tpu.dot_dimension_numbers<[1], [1], [0], [0], [0, 0, 1, 0], [], []>, transpose_lhs_hint = false} : vector<256x256xf32>, vector<1024x256xf32>, vector<256x1024xf32> -> vector<256x1024xf32>
    %get3A_149 = arith.constant 0 : index
    %get3A_150 = arith.constant 4096 : index
    %get3A_151 = vector.load %arg6[%get3A_149, %get3A_150] : memref<1x8192xf32, #tpu.memory_space<vmem>>, vector<1x1024xf32>
    %get3A_152 = vector.shape_cast %get3A_151 : vector<1x1024xf32> to vector<1024xf32>
    %broadcast_in_dim3A_153 = vector.shape_cast %reduce_sum3A_2 : vector<256xf32> to vector<256x1xf32>
    %broadcast_in_dim3A_154 = vector.shape_cast %get3A_152 : vector<1024xf32> to vector<1x1024xf32>
    %add3A_155 = vector.broadcast %broadcast_in_dim3A_153 : vector<256x1xf32> to vector<256x1024xf32>
    %add3A_156 = vector.broadcast %broadcast_in_dim3A_154 : vector<1x1024xf32> to vector<256x1024xf32>
    %add3A_157 = arith.addf %add3A_155, %add3A_156 : vector<256x1024xf32>
    %mul3A_158 = arith.constant 2.000000e+00 : f32
    %mul3A_159 = vector.broadcast %mul3A_158 : f32 to vector<256x1024xf32>
    %mul3A_160 = arith.mulf %mul3A_159, %dot_general3A_148 : vector<256x1024xf32>
    %sub3A_161 = arith.subf %add3A_157, %mul3A_160 : vector<256x1024xf32>
    %reduce_min3A_162 = arith.constant dense<0x7F800000> : vector<256xf32>
    %reduce_min3A_163 = vector.multi_reduction <minimumf>, %sub3A_161, %reduce_min3A_162 [1] : vector<256x1024xf32> to vector<256xf32>
    %iota3A_164 = tpu.iota {dimensions = array<i32: 1>} : vector<256x1024xi32>
    %add3A_165 = arith.constant 4096 : i32
    %add3A_166 = vector.broadcast %add3A_165 : i32 to vector<256x1024xi32>
    %add3A_167 = arith.addi %iota3A_164, %add3A_166 : vector<256x1024xi32>
    %broadcast_in_dim3A_168 = vector.shape_cast %reduce_min3A_163 : vector<256xf32> to vector<256x1xf32>
    %eq3A_169 = vector.broadcast %broadcast_in_dim3A_168 : vector<256x1xf32> to vector<256x1024xf32>
    %eq3A_170 = arith.cmpf oeq, %sub3A_161, %eq3A_169 : vector<256x1024xf32>
    %jit3A_171 = arith.constant 1073741824 : i32
    %broadcast_in_dim3A_172 = vector.broadcast %jit3A_171 : i32 to vector<256x1024xi32>
    %select_n3A_173 = arith.select %eq3A_170, %add3A_167, %broadcast_in_dim3A_172 : vector<256x1024xi1>, vector<256x1024xi32>
    %reduce_min3A_174 = arith.constant dense<2147483647> : vector<256xi32>
    %reduce_min3A_175 = vector.multi_reduction <minsi>, %select_n3A_173, %reduce_min3A_174 [1] : vector<256x1024xi32> to vector<256xi32>
    %lt3A_176 = arith.cmpf olt, %reduce_min3A_163, %broadcast_in_dim3A_7 : vector<256xf32>
    %select_n3A_177 = arith.select %lt3A_176, %reduce_min3A_175, %broadcast_in_dim3A_11 : vector<256xi1>, vector<256xi32>
    %select_n3A_178 = arith.select %lt3A_176, %reduce_min3A_163, %broadcast_in_dim3A_7 : vector<256xi1>, vector<256xf32>
    %get3A_179 = arith.constant 5120 : index
    %get3A_180 = arith.constant 0 : index
    %get3A_181 = vector.load %arg2[%get3A_179, %get3A_180] : memref<8192x256xf32, #tpu.memory_space<vmem>>, vector<1024x256xf32>
    %dot_general3A_182 = arith.constant dense<0.000000e+00> : vector<256x1024xf32>
    %dot_general3A_183 = tpu.matmul %get3A_1, %get3A_181, %dot_general3A_182 {dimension_numbers = #tpu.dot_dimension_numbers<[1], [1], [0], [0], [0, 0, 1, 0], [], []>, transpose_lhs_hint = false} : vector<256x256xf32>, vector<1024x256xf32>, vector<256x1024xf32> -> vector<256x1024xf32>
    %get3A_184 = arith.constant 0 : index
    %get3A_185 = arith.constant 5120 : index
    %get3A_186 = vector.load %arg6[%get3A_184, %get3A_185] : memref<1x8192xf32, #tpu.memory_space<vmem>>, vector<1x1024xf32>
    %get3A_187 = vector.shape_cast %get3A_186 : vector<1x1024xf32> to vector<1024xf32>
    %broadcast_in_dim3A_188 = vector.shape_cast %reduce_sum3A_2 : vector<256xf32> to vector<256x1xf32>
    %broadcast_in_dim3A_189 = vector.shape_cast %get3A_187 : vector<1024xf32> to vector<1x1024xf32>
    %add3A_190 = vector.broadcast %broadcast_in_dim3A_188 : vector<256x1xf32> to vector<256x1024xf32>
    %add3A_191 = vector.broadcast %broadcast_in_dim3A_189 : vector<1x1024xf32> to vector<256x1024xf32>
    %add3A_192 = arith.addf %add3A_190, %add3A_191 : vector<256x1024xf32>
    %mul3A_193 = arith.constant 2.000000e+00 : f32
    %mul3A_194 = vector.broadcast %mul3A_193 : f32 to vector<256x1024xf32>
    %mul3A_195 = arith.mulf %mul3A_194, %dot_general3A_183 : vector<256x1024xf32>
    %sub3A_196 = arith.subf %add3A_192, %mul3A_195 : vector<256x1024xf32>
    %reduce_min3A_197 = arith.constant dense<0x7F800000> : vector<256xf32>
    %reduce_min3A_198 = vector.multi_reduction <minimumf>, %sub3A_196, %reduce_min3A_197 [1] : vector<256x1024xf32> to vector<256xf32>
    %iota3A_199 = tpu.iota {dimensions = array<i32: 1>} : vector<256x1024xi32>
    %add3A_200 = arith.constant 5120 : i32
    %add3A_201 = vector.broadcast %add3A_200 : i32 to vector<256x1024xi32>
    %add3A_202 = arith.addi %iota3A_199, %add3A_201 : vector<256x1024xi32>
    %broadcast_in_dim3A_203 = vector.shape_cast %reduce_min3A_198 : vector<256xf32> to vector<256x1xf32>
    %eq3A_204 = vector.broadcast %broadcast_in_dim3A_203 : vector<256x1xf32> to vector<256x1024xf32>
    %eq3A_205 = arith.cmpf oeq, %sub3A_196, %eq3A_204 : vector<256x1024xf32>
    %jit3A_206 = arith.constant 1073741824 : i32
    %broadcast_in_dim3A_207 = vector.broadcast %jit3A_206 : i32 to vector<256x1024xi32>
    %select_n3A_208 = arith.select %eq3A_205, %add3A_202, %broadcast_in_dim3A_207 : vector<256x1024xi1>, vector<256x1024xi32>
    %reduce_min3A_209 = arith.constant dense<2147483647> : vector<256xi32>
    %reduce_min3A_210 = vector.multi_reduction <minsi>, %select_n3A_208, %reduce_min3A_209 [1] : vector<256x1024xi32> to vector<256xi32>
    %lt3A_211 = arith.cmpf olt, %reduce_min3A_198, %select_n3A_178 : vector<256xf32>
    %select_n3A_212 = arith.select %lt3A_211, %reduce_min3A_210, %select_n3A_177 : vector<256xi1>, vector<256xi32>
    %select_n3A_213 = arith.select %lt3A_211, %reduce_min3A_198, %select_n3A_178 : vector<256xi1>, vector<256xf32>
    %get3A_214 = arith.constant 6144 : index
    %get3A_215 = arith.constant 0 : index
    %get3A_216 = vector.load %arg2[%get3A_214, %get3A_215] : memref<8192x256xf32, #tpu.memory_space<vmem>>, vector<1024x256xf32>
    %dot_general3A_217 = arith.constant dense<0.000000e+00> : vector<256x1024xf32>
    %dot_general3A_218 = tpu.matmul %get3A_1, %get3A_216, %dot_general3A_217 {dimension_numbers = #tpu.dot_dimension_numbers<[1], [1], [0], [0], [0, 0, 1, 0], [], []>, transpose_lhs_hint = false} : vector<256x256xf32>, vector<1024x256xf32>, vector<256x1024xf32> -> vector<256x1024xf32>
    %get3A_219 = arith.constant 0 : index
    %get3A_220 = arith.constant 6144 : index
    %get3A_221 = vector.load %arg6[%get3A_219, %get3A_220] : memref<1x8192xf32, #tpu.memory_space<vmem>>, vector<1x1024xf32>
    %get3A_222 = vector.shape_cast %get3A_221 : vector<1x1024xf32> to vector<1024xf32>
    %broadcast_in_dim3A_223 = vector.shape_cast %reduce_sum3A_2 : vector<256xf32> to vector<256x1xf32>
    %broadcast_in_dim3A_224 = vector.shape_cast %get3A_222 : vector<1024xf32> to vector<1x1024xf32>
    %add3A_225 = vector.broadcast %broadcast_in_dim3A_223 : vector<256x1xf32> to vector<256x1024xf32>
    %add3A_226 = vector.broadcast %broadcast_in_dim3A_224 : vector<1x1024xf32> to vector<256x1024xf32>
    %add3A_227 = arith.addf %add3A_225, %add3A_226 : vector<256x1024xf32>
    %mul3A_228 = arith.constant 2.000000e+00 : f32
    %mul3A_229 = vector.broadcast %mul3A_228 : f32 to vector<256x1024xf32>
    %mul3A_230 = arith.mulf %mul3A_229, %dot_general3A_218 : vector<256x1024xf32>
    %sub3A_231 = arith.subf %add3A_227, %mul3A_230 : vector<256x1024xf32>
    %reduce_min3A_232 = arith.constant dense<0x7F800000> : vector<256xf32>
    %reduce_min3A_233 = vector.multi_reduction <minimumf>, %sub3A_231, %reduce_min3A_232 [1] : vector<256x1024xf32> to vector<256xf32>
    %iota3A_234 = tpu.iota {dimensions = array<i32: 1>} : vector<256x1024xi32>
    %add3A_235 = arith.constant 6144 : i32
    %add3A_236 = vector.broadcast %add3A_235 : i32 to vector<256x1024xi32>
    %add3A_237 = arith.addi %iota3A_234, %add3A_236 : vector<256x1024xi32>
    %broadcast_in_dim3A_238 = vector.shape_cast %reduce_min3A_233 : vector<256xf32> to vector<256x1xf32>
    %eq3A_239 = vector.broadcast %broadcast_in_dim3A_238 : vector<256x1xf32> to vector<256x1024xf32>
    %eq3A_240 = arith.cmpf oeq, %sub3A_231, %eq3A_239 : vector<256x1024xf32>
    %jit3A_241 = arith.constant 1073741824 : i32
    %broadcast_in_dim3A_242 = vector.broadcast %jit3A_241 : i32 to vector<256x1024xi32>
    %select_n3A_243 = arith.select %eq3A_240, %add3A_237, %broadcast_in_dim3A_242 : vector<256x1024xi1>, vector<256x1024xi32>
    %reduce_min3A_244 = arith.constant dense<2147483647> : vector<256xi32>
    %reduce_min3A_245 = vector.multi_reduction <minsi>, %select_n3A_243, %reduce_min3A_244 [1] : vector<256x1024xi32> to vector<256xi32>
    %lt3A_246 = arith.cmpf olt, %reduce_min3A_233, %select_n3A_213 : vector<256xf32>
    %select_n3A_247 = arith.select %lt3A_246, %reduce_min3A_245, %select_n3A_212 : vector<256xi1>, vector<256xi32>
    %select_n3A_248 = arith.select %lt3A_246, %reduce_min3A_233, %select_n3A_213 : vector<256xi1>, vector<256xf32>
    %get3A_249 = arith.constant 7168 : index
    %get3A_250 = arith.constant 0 : index
    %get3A_251 = vector.load %arg2[%get3A_249, %get3A_250] : memref<8192x256xf32, #tpu.memory_space<vmem>>, vector<1024x256xf32>
    %dot_general3A_252 = arith.constant dense<0.000000e+00> : vector<256x1024xf32>
    %dot_general3A_253 = tpu.matmul %get3A_1, %get3A_251, %dot_general3A_252 {dimension_numbers = #tpu.dot_dimension_numbers<[1], [1], [0], [0], [0, 0, 1, 0], [], []>, transpose_lhs_hint = false} : vector<256x256xf32>, vector<1024x256xf32>, vector<256x1024xf32> -> vector<256x1024xf32>
    %get3A_254 = arith.constant 0 : index
    %get3A_255 = arith.constant 7168 : index
    %get3A_256 = vector.load %arg6[%get3A_254, %get3A_255] : memref<1x8192xf32, #tpu.memory_space<vmem>>, vector<1x1024xf32>
    %get3A_257 = vector.shape_cast %get3A_256 : vector<1x1024xf32> to vector<1024xf32>
    %broadcast_in_dim3A_258 = vector.shape_cast %reduce_sum3A_2 : vector<256xf32> to vector<256x1xf32>
    %broadcast_in_dim3A_259 = vector.shape_cast %get3A_257 : vector<1024xf32> to vector<1x1024xf32>
    %add3A_260 = vector.broadcast %broadcast_in_dim3A_258 : vector<256x1xf32> to vector<256x1024xf32>
    %add3A_261 = vector.broadcast %broadcast_in_dim3A_259 : vector<1x1024xf32> to vector<256x1024xf32>
    %add3A_262 = arith.addf %add3A_260, %add3A_261 : vector<256x1024xf32>
    %mul3A_263 = arith.constant 2.000000e+00 : f32
    %mul3A_264 = vector.broadcast %mul3A_263 : f32 to vector<256x1024xf32>
    %mul3A_265 = arith.mulf %mul3A_264, %dot_general3A_253 : vector<256x1024xf32>
    %sub3A_266 = arith.subf %add3A_262, %mul3A_265 : vector<256x1024xf32>
    %reduce_min3A_267 = arith.constant dense<0x7F800000> : vector<256xf32>
    %reduce_min3A_268 = vector.multi_reduction <minimumf>, %sub3A_266, %reduce_min3A_267 [1] : vector<256x1024xf32> to vector<256xf32>
    %iota3A_269 = tpu.iota {dimensions = array<i32: 1>} : vector<256x1024xi32>
    %add3A_270 = arith.constant 7168 : i32
    %add3A_271 = vector.broadcast %add3A_270 : i32 to vector<256x1024xi32>
    %add3A_272 = arith.addi %iota3A_269, %add3A_271 : vector<256x1024xi32>
    %broadcast_in_dim3A_273 = vector.shape_cast %reduce_min3A_268 : vector<256xf32> to vector<256x1xf32>
    %eq3A_274 = vector.broadcast %broadcast_in_dim3A_273 : vector<256x1xf32> to vector<256x1024xf32>
    %eq3A_275 = arith.cmpf oeq, %sub3A_266, %eq3A_274 : vector<256x1024xf32>
    %jit3A_276 = arith.constant 1073741824 : i32
    %broadcast_in_dim3A_277 = vector.broadcast %jit3A_276 : i32 to vector<256x1024xi32>
    %select_n3A_278 = arith.select %eq3A_275, %add3A_272, %broadcast_in_dim3A_277 : vector<256x1024xi1>, vector<256x1024xi32>
    %reduce_min3A_279 = arith.constant dense<2147483647> : vector<256xi32>
    %reduce_min3A_280 = vector.multi_reduction <minsi>, %select_n3A_278, %reduce_min3A_279 [1] : vector<256x1024xi32> to vector<256xi32>
    %lt3A_281 = arith.cmpf olt, %reduce_min3A_268, %select_n3A_248 : vector<256xf32>
    %select_n3A_282 = arith.select %lt3A_281, %reduce_min3A_280, %select_n3A_247 : vector<256xi1>, vector<256xi32>
    %select_n3A_283 = arith.select %lt3A_281, %reduce_min3A_268, %select_n3A_248 : vector<256xi1>, vector<256xf32>
    %convert_element_type3A_284 = arith.truncf %select_n3A_143 : vector<256xf32> to vector<256xbf16>
    %convert_element_type3A_285 = arith.extf %convert_element_type3A_284 : vector<256xbf16> to vector<256xf32>
    %lt3A_286 = arith.cmpf olt, %select_n3A_283, %convert_element_type3A_285 : vector<256xf32>
    %select_n3A_287 = arith.select %lt3A_286, %select_n3A_282, %select_n3A_142 : vector<256xi1>, vector<256xi32>
    %swap3A = arith.constant 0 : index
    %swap3A_288 = arith.constant 0 : index
    %swap3A_289 = arith.constant 0 : index
    %swap3A_290 = vector.load %arg3[%swap3A, %swap3A_288, %swap3A_289] : memref<1x1x256xi32, #tpu.memory_space<vmem>>, vector<1x1x256xi32>
    %swap3A_291 = vector.shape_cast %swap3A_290 : vector<1x1x256xi32> to vector<256xi32>
    %swap3A_292 = vector.shape_cast %select_n3A_287 : vector<256xi32> to vector<1x1x256xi32>
    tpu.vector_store %arg3[%swap3A, %swap3A_288, %swap3A_289], %swap3A_292 {strides = array<i32>} : memref<1x1x256xi32, #tpu.memory_space<vmem>>, vector<1x1x256xi32>,
    %iota3A_293 = tpu.iota {dimensions = array<i32: 1>} : vector<256x8192xi32>
    %broadcast_in_dim3A_294 = vector.shape_cast %select_n3A_287 : vector<256xi32> to vector<256x1xi32>
    %eq3A_295 = vector.broadcast %broadcast_in_dim3A_294 : vector<256x1xi32> to vector<256x8192xi32>
    %eq3A_296 = arith.cmpi eq, %iota3A_293, %eq3A_295 : vector<256x8192xi32>
    %jit3A_297 = arith.constant 1.000000e+00 : f32
    %jit3A_298 = arith.constant 0.000000e+00 : f32
    %broadcast_in_dim3A_299 = vector.broadcast %jit3A_297 : f32 to vector<256x8192xf32>
    %broadcast_in_dim3A_300 = vector.broadcast %jit3A_298 : f32 to vector<256x8192xf32>
    %select_n3A_301 = arith.select %eq3A_296, %broadcast_in_dim3A_299, %broadcast_in_dim3A_300 : vector<256x8192xi1>, vector<256x8192xf32>
    %swap3A_302 = arith.constant 0 : index
    %swap3A_303 = arith.constant 0 : index
    %swap3A_304 = vector.load %arg4[%swap3A_302, %swap3A_303] : memref<256x8192xf32, #tpu.memory_space<vmem>>, vector<256x8192xf32>
    tpu.vector_store %arg4[%swap3A_302, %swap3A_303], %select_n3A_301 {strides = array<i32>} : memref<256x8192xf32, #tpu.memory_space<vmem>>, vector<256x8192xf32>,
    %reduce_sum3A_305 = arith.constant dense<0.000000e+00> : vector<8192xf32>
    %reduce_sum3A_306 = vector.multi_reduction <add>, %select_n3A_301, %reduce_sum3A_305 [0] : vector<256x8192xf32> to vector<8192xf32>
    %broadcast_in_dim3A_307 = vector.shape_cast %reduce_sum3A_306 : vector<8192xf32> to vector<1x8192xf32>
    %eq3A_308 = arith.constant 0 : i32
    %eq3A_309 = arith.cmpi eq, %arg0, %eq3A_308 : i32
    %convert_element_type3A_310 = arith.extui %eq3A_309 : i1 to i32
    %cond3A_311 = arith.constant 0 : i32
    %cond3A_312 = arith.cmpi ne, %convert_element_type3A_310, %cond3A_311 : i32
    scf.if %cond3A_312 {
      %swap3A_322 = arith.constant 0 : index
      %swap3A_323 = arith.constant 0 : index
      %swap3A_324 = vector.load %arg7[%swap3A_322, %swap3A_323] : memref<1x8192xf32, #tpu.memory_space<vmem>>, vector<1x8192xf32>
      tpu.vector_store %arg7[%swap3A_322, %swap3A_323], %broadcast_in_dim3A_307 {strides = array<i32>} : memref<1x8192xf32, #tpu.memory_space<vmem>>, vector<1x8192xf32>,
    } else {
    }
    %gt3A = arith.constant 0 : i32
    %gt3A_313 = arith.cmpi sgt, %arg0, %gt3A : i32
    %convert_element_type3A_314 = arith.extui %gt3A_313 : i1 to i32
    %cond3A_315 = arith.constant 0 : i32
    %cond3A_316 = arith.cmpi ne, %convert_element_type3A_314, %cond3A_315 : i32
    scf.if %cond3A_316 {
      %get3A_322 = arith.constant 0 : index
      %get3A_323 = arith.constant 0 : index
      %get3A_324 = vector.load %arg7[%get3A_322, %get3A_323] : memref<1x8192xf32, #tpu.memory_space<vmem>>, vector<1x8192xf32>
      %add3A_325 = arith.addf %get3A_324, %broadcast_in_dim3A_307 : vector<1x8192xf32>
      %swap3A_326 = arith.constant 0 : index
      %swap3A_327 = arith.constant 0 : index
      %swap3A_328 = vector.load %arg7[%swap3A_326, %swap3A_327] : memref<1x8192xf32, #tpu.memory_space<vmem>>, vector<1x8192xf32>
      tpu.vector_store %arg7[%swap3A_326, %swap3A_327], %add3A_325 {strides = array<i32>} : memref<1x8192xf32, #tpu.memory_space<vmem>>, vector<1x8192xf32>,
    } else {
    }
    %eq3A_317 = arith.constant 31 : i32
    %eq3A_318 = arith.cmpi eq, %arg0, %eq3A_317 : i32
    %convert_element_type3A_319 = arith.extui %eq3A_318 : i1 to i32
    %cond3A_320 = arith.constant 0 : i32
    %cond3A_321 = arith.cmpi ne, %convert_element_type3A_319, %cond3A_320 : i32
    scf.if %cond3A_321 {
      %get3A_322 = arith.constant 0 : index
      %get3A_323 = arith.constant 0 : index
      %get3A_324 = vector.load %arg7[%get3A_322, %get3A_323] : memref<1x8192xf32, #tpu.memory_space<vmem>>, vector<1x8192xf32>
      %mul3A_325 = arith.constant 1.22070313E-4 : f32
      %mul3A_326 = vector.broadcast %mul3A_325 : f32 to vector<1x8192xf32>
      %mul3A_327 = arith.mulf %get3A_324, %mul3A_326 : vector<1x8192xf32>
      %add3A_328 = arith.constant 1.000000e-10 : f32
      %add3A_329 = vector.broadcast %add3A_328 : f32 to vector<1x8192xf32>
      %add3A_330 = arith.addf %mul3A_327, %add3A_329 : vector<1x8192xf32>
      %log3A = math.log %add3A_330 : vector<1x8192xf32>
      %mul3A_331 = arith.mulf %mul3A_327, %log3A : vector<1x8192xf32>
      %reduce_sum3A_332 = vector.shape_cast %mul3A_331 : vector<1x8192xf32> to vector<1x1x8192xf32>
      %reduce_sum3A_333 = arith.constant dense<0.000000e+00> : vector<1xf32>
      %reduce_sum3A_334 = vector.multi_reduction <add>, %reduce_sum3A_332, %reduce_sum3A_333 [1, 2] : vector<1x1x8192xf32> to vector<1xf32>
      %reduce_sum3A_335 = vector.shape_cast %reduce_sum3A_334 : vector<1xf32> to vector<1x1x1xf32>
      %reduce_sum3A_336 = vector.extract %reduce_sum3A_335[0, 0, 0] : f32 from vector<1x1x1xf32>
      %broadcast_in_dim3A_337 = vector.broadcast %reduce_sum3A_336 : f32 to vector<1x1xf32>
      %neg3A = arith.constant 0.000000e+00 : f32
      %neg3A_338 = vector.broadcast %neg3A : f32 to vector<1x1xf32>
      %neg3A_339 = arith.subf %neg3A_338, %broadcast_in_dim3A_337 : vector<1x1xf32>
      %exp3A = math.exp %neg3A_339 : vector<1x1xf32>
      %swap3A_340 = arith.constant 0 : index
      %swap3A_341 = arith.constant 0 : index
      %swap3A_342 = vector.load %arg5[%swap3A_340, %swap3A_341] : memref<1x1xf32, #tpu.memory_space<vmem>>, vector<1x1xf32>
      tpu.vector_store %arg5[%swap3A_340, %swap3A_341], %exp3A {strides = array<i32>} : memref<1x1xf32, #tpu.memory_space<vmem>>, vector<1x1xf32>,
    } else {
    }
    return
  }
  func.func @transform_0(%arg0: i32) -> (i32, i32) {
    %c0_i32 = arith.constant 0 : i32
    %c0_i32_0 = arith.constant 0 : i32
    return %arg0, %c0_i32 : i32, i32
  }
  func.func @transform_1(%arg0: i32) -> (i32, i32) {
    %c0_i32 = arith.constant 0 : i32
    %c0_i32_0 = arith.constant 0 : i32
    %c0_i32_1 = arith.constant 0 : i32
    return %c0_i32, %c0_i32_0 : i32, i32
  }
  func.func @transform_2(%arg0: i32) -> (i32, i32, i32) {
    %c0_i32 = arith.constant 0 : i32
    %c0_i32_0 = arith.constant 0 : i32
    %c0_i32_1 = arith.constant 0 : i32
    return %arg0, %c0_i32, %c0_i32_0 : i32, i32, i32
  }
  func.func @transform_3(%arg0: i32) -> (i32, i32) {
    %c0_i32 = arith.constant 0 : i32
    %c0_i32_0 = arith.constant 0 : i32
    return %arg0, %c0_i32 : i32, i32
  }
  func.func @transform_4(%arg0: i32) -> (i32, i32) {
    %c0_i32 = arith.constant 0 : i32
    %c0_i32_0 = arith.constant 0 : i32
    %c0_i32_1 = arith.constant 0 : i32
    return %c0_i32, %c0_i32_0 : i32, i32
  }
}

</mosaic_0001>

<sc_bundles>
// kernel: kernel.5.cloned.1.call-start
scs
__scs_entry_jumppad:
0x0: {  	(pc) =	sbr.rel $0x88, $3  }
0x1: {  	(tag) =	ssettag $0x0;
	lr =	simm.s32 $0x1  }
0x2: {  	[smem:$0x3F9F] =	sst lr;
	_ =	strace $0xD0000000  }
0x3: {  	_ = 	snop  }
0x4: {  	_ = 	snop  }
0x5: {  	_ = 	snop  }
0x6: {  	_ = 	snop  }
0x7: {  	_ = 	snop  }
__scs_overlays_trampoline_lowered:
0x8: {  	[smem:$0x3FAE] =	sst s0  }
0x9: {  	[smem:$0x3FAF] =	sst s1  }
0xa: {  	[smem:$0x3FB0] =	sst s2  }
0xb: {  	[smem:$0x3FB1] =	sst s3  }
0xc: {  	[smem:$0x3FB2] =	sst s4  }
0xd: {  	[smem:$0x3FB3] =	sst s5  }
0xe: {  	[smem:$0x3FB4] =	sst s6  }
0xf: {  	[smem:$0x3FB5] =	sst s7  }
0x10: {  	[smem:$0x3FB6] =	sst s8  }
0x11: {  	[smem:$0x3FB7] =	sst s9;
	s0 =	simm.s32 @!p0 $0x0  }
0x12: {  	s1 =	sld [smem:$0x3F9D];
	s0 =	simm.s32 @p0 $0x1  }
0x13: {  	[smem:$0x3FB8] =	sst s0;
	s0 =	simm.s32 @!p1 $0x0  }
0x14: {  	s2 =	sld [smem:$0x3F9C];
	s0 =	simm.s32 @p1 $0x1  }
0x15: {  	[smem:$0x3FB9] =	sst s0;
	s0 =	simm.s32 @!p2 $0x0  }
0x16: {  	s3 =	sld [smem:$0x3FDB];
	s0 =	simm.s32 @p2 $0x1  }
0x17: {  	s4 =	simm.s32 $0x1BF5;
	[smem:$0x3FBB] =	sst s0  }
0x18: {  	s0 =	sld [smem:$0x3F9E];
	_ =	swait.ge [sflag:s4], $0x0  }
0x19: {  	s7 =	sld [smem:$0x3F9F]  }
0x1a: {  	s8 =	sadd.s32 $0xFFFFE003, lr  }
0x1b: {  	s9 =	sadd.s32 $0xFFFFFEF7, lr;
	s5 =	simm.s32 $0xFFFFFFFF;
	p2 =	slt.u32 s8, $0xFFFFF086  }
0x1c: {  	p1 =	slt.u32 s9, $0xF7A;
	s5 =	simm.s32 @!p2 $0x0  }
0x1d: {  	s5 =	simm.s32 @p1 $0x1;
	p0 =	seq.s32 s7, s2  }
0x1e: {  	s7 =	smul.u32 @!p0 $0xF7A, s2;
	p2 =	seq.s32 @!p0 s5, $0x0  }
0x1f: {  	s9 =	smul.u32 $0xF7A, s1;
	s8 =	simm.s32 @!p0 $0x1BF5;
	p2 =	por !p2, p0  }
0x20: {  	[sflag:s8] =	ssyncset.s32 @!p0 $0xFFFFF086;
	s6 =	sadd.s32 @!p0 s3, s7;
	s7 =	simm.s32 @!p0 $0x108  }
0x21: {  	s3 =	sadd.s32 s3, s9;
	s6 =	sadd.s32 @!p0 $0x88, s6;
	s7 =	simm.s32 @p2 $0x1082  }
0x22: {  	[simem:s7], [sflag:s8] =	dma.local @!p0 [hbm:s6], $0xF7A  }
0x23: {  	s9 =	sor.u32 $0xD0000000, s2;
	s6 =	simm.s32 $0x108;
	_ =	swait.ge @!p0 [sflag:s8], $0x0  }
0x24: {  	s3 =	sadd.s32 $0x88, s3;
	s6 =	simm.s32 @!p1 $0x1082;
	[sflag:s4] =	ssyncset.s32 $0xFFFFF086  }
0x25: {  	[simem:s6], [sflag:s4] =	dma.local [hbm:s3], $0xF7A  }
0x26: {  	[smem:$0x3F9F] =	sst s1;
	(tag) =	ssettag s2;
	_ =	strace s9  }
0x27: {  	s1 =	sld [smem:$0x3FAF]  }
0x28: {  	s2 =	sld [smem:$0x3FB0]  }
0x29: {  	s4 =	sld [smem:$0x3FB2]  }
0x2a: {  	p0 =	seq.s32 s5, $0x0;
	s5 =	sld [smem:$0x3FB3]  }
0x2b: {  	s6 =	sld [smem:$0x3FB4]  }
0x2c: {  	s7 =	sld [smem:$0x3FB5]  }
0x2d: {  	s3 =	simm.s32 $0x108;
	s8 =	sld [smem:$0x3FB6]  }
0x2e: {  	s3 =	simm.s32 @!p0 $0x1082;
	s9 =	sld [smem:$0x3FB7]  }
0x2f: {  	lr =	sadd.s32 s0, s3;
	s0 =	sld [smem:$0x3FAE]  }
0x30: {  	s3 =	sld [smem:$0x3FB1]  }
0x31: {  	[smem:$0x3FBA] =	sst s10  }
0x32: {  	s10 =	sld [smem:$0x3FB8];
	_ =	sdelay $0x3  }
0x33: {  	p0 =	seq.s32 s10, $0x1;
	s10 =	sld [smem:$0x3FBA];
	_ =	sdelay $0x3  }
0x34: {  	[smem:$0x3FBA] =	sst s10  }
0x35: {  	s10 =	sld [smem:$0x3FB9];
	_ =	sdelay $0x3  }
0x36: {  	p1 =	seq.s32 s10, $0x1;
	s10 =	sld [smem:$0x3FBA];
	_ =	sdelay $0x3  }
0x37: {  	[smem:$0x3FBA] =	sst s10  }
0x38: {  	s10 =	sld [smem:$0x3FBB]  }
0x39: {  	_ = 	snop;
	(pc) =	sbr.ind lr, $3  }
0x3a: {  	_ = 	snop  }
0x3b: {  	_ = 	snop  }
0x3c: {  	p2 =	seq.s32 s10, $0x1;
	s10 =	sld [smem:$0x3FBA]  }
0x3d: {  	_ =	shalt  }
0x3e: {  	_ =	shalt  }
0x3f: {  	_ =	shalt  }
0x40: {  	_ =	shalt  }
0x41: {  	_ =	shalt  }
0x42: {  	_ =	shalt  }
0x43: {  	_ =	shalt  }
0x44: {  	_ =	shalt  }
0x45: {  	_ =	shalt  }
0x46: {  	_ =	shalt  }
0x47: {  	_ =	shalt  }
0x48: {  	_ =	shalt  }
0x49: {  	_ =	shalt  }
0x4a: {  	_ =	shalt  }
0x4b: {  	_ =	shalt  }
0x4c: {  	_ =	shalt  }
0x4d: {  	_ =	shalt  }
0x4e: {  	_ =	shalt  }
0x4f: {  	_ =	shalt  }
0x50: {  	_ =	shalt  }
0x51: {  	_ =	shalt  }
0x52: {  	_ =	shalt  }
0x53: {  	_ =	shalt  }
0x54: {  	_ =	shalt  }
0x55: {  	_ =	shalt  }
0x56: {  	_ =	shalt  }
0x57: {  	_ =	shalt  }
0x58: {  	_ =	shalt  }
0x59: {  	_ =	shalt  }
0x5a: {  	_ =	shalt  }
0x5b: {  	_ =	shalt  }
0x5c: {  	_ =	shalt  }
0x5d: {  	_ =	shalt  }
0x5e: {  	_ =	shalt  }
0x5f: {  	_ =	shalt  }
0x60: {  	_ =	shalt  }
0x61: {  	_ =	shalt  }
0x62: {  	_ =	shalt  }
0x63: {  	_ =	shalt  }
0x64: {  	_ =	shalt  }
0x65: {  	_ =	shalt  }
0x66: {  	_ =	shalt  }
0x67: {  	_ =	shalt  }
0x68: {  	_ =	shalt  }
0x69: {  	_ =	shalt  }
0x6a: {  	_ =	shalt  }
0x6b: {  	_ =	shalt  }
0x6c: {  	_ =	shalt  }
0x6d: {  	_ =	shalt  }
0x6e: {  	_ =	shalt  }
0x6f: {  	_ =	shalt  }
0x70: {  	_ =	shalt  }
0x71: {  	_ =	shalt  }
0x72: {  	_ =	shalt  }
0x73: {  	_ =	shalt  }
0x74: {  	_ =	shalt  }
0x75: {  	_ =	shalt  }
0x76: {  	_ =	shalt  }
0x77: {  	_ =	shalt  }
0x78: {  	_ =	shalt  }
0x79: {  	_ =	shalt  }
0x7a: {  	_ =	shalt  }
0x7b: {  	_ =	shalt  }
0x7c: {  	_ =	shalt  }
0x7d: {  	_ =	shalt  }
0x7e: {  	_ =	shalt  }
0x7f: {  	_ =	shalt  }
0x80: {  	_ =	shalt  }
0x81: {  	_ =	shalt  }
0x82: {  	_ =	shalt  }
0x83: {  	_ =	shalt  }
0x84: {  	_ =	shalt  }
0x85: {  	_ =	shalt  }
0x86: {  	_ =	shalt  }
0x87: {  	_ =	shalt  }
.Lfunc_end0:
.L_simem_size_0:
called_computation_lowered:
.L_overlay_start_0:
0x88: {  	s2 =	sld [smem:$0x3FD9]  }
0x89: {  	s3 =	sld [smem:$0x3FFE];
	_ =	sdelay $0x1  }
0x8a: {  	s1 =	srdreg.scid  }
0x8b: {  	s0 =	sand.u32 $0x1, s1  }
0x8c: {  	s15 =	sshll.u32 s0, $0xA;
	s2 =	sadd.s32 s3, s2  }
0x8d: {  	s2 =	sadd.s32 s2, s15  }
0x8e: {  	[smem:$0x3FC6] =	sst s2  }
0x8f: {  	_ = 	snop  }
0x90: {  	s2 =	sld [smem:$0x3FD0];
	_ =	sdelay $0x2  }
0x91: {  	s4 =	simm.s32 $0xA;
	s5 =	simm.s32 $0x10;
	s16 =	sld [smem:$0x3FC8]  }
0x92: {  	[smem:s5], [sflag:s4] =	dma.local [hbm:s2], $0x1  }
0x93: {  	_ =	swait.eq [sflag:s4], $0x1  }
0x94: {  	[sflag:s4] =	ssyncset.done $0x0  }
0x95: {  	s17 =	sld [smem:$0x14];
	[sflag:s4] =	ssyncadd.s32 $0xFFFFFFFF  }
0x96: {  	s18 =	sld [smem:$0x16];
	(tm) =	ssettm $0x1  }
0x97: {  	s19 =	sld [smem:$0x3FFB];
	_ =	sdelay $0x3  }
0x98: {  	_ =	strace s19  }
0x99: {  	s5 =	sld [smem:$0x3FFC];
	_ =	sdelay $0x3  }
0x9a: {  	_ =	strace s5  }
0x9b: {  	s5 =	sld [smem:$0x3FFD];
	_ =	sdelay $0x3  }
0x9c: {  	_ =	strace s5  }
0x9d: {  	_ =	strace $0x8FFFFFFF  }
0x9e: {  	s20 =	sld [smem:$0x3FDB];
	_ =	sdelay $0x1  }
0x9f: {  	s6 =	simm.s32 $_scs_section_size  }
0xa0: {  	s7 =	simm.s32 $_size__tile_overlayer_lowered;
	s8 =	simm.s32 $_tile_overlayer_lowered  }
0xa1: {  	s23 =	simm.s32 $0x1BFF;
	s22 =	sshll.u32 s8, $0x1;
	s5 =	sadd.s32 s6, s20  }
0xa2: {  	s9 =	simm.s32 $0x0;
	s21 =	sshll.u32 s7, $0x1;
	s7 =	sadd.s32 s22, s5  }
0xa3: {  	[timem:s9], [sflag:s23] =	dma.local [hbm:s7], s21  }
0xa4: {  	_ =	swait.ge [sflag:s23], s21  }
0xa5: {  	s6 =	ssub.s32 $0x0, s21;
	[sflag:s23] =	ssyncset.done $0x0  }
0xa6: {  	[sflag:s23] =	ssyncadd.s32 s6;
	_ =	sdelay $0x1  }
0xa7: {  	s24 =	simm.s32 $0x1B8B  }
0xa8: {  	_ =	swait.ge [sflag:s24], $0x1  }
0xa9: {  	[sflag:s24] =	ssyncset.done $0x0  }
0xaa: {  	s25 =	simm.s32 $0x1B8E;
	[sflag:s24] =	ssyncadd.s32 $0xFFFFFFFF  }
0xab: {  	s26 =	simm.s32 $execute0_lowered;
	[smem:$0x3FD2] =	sst s25  }
0xac: {  	s6 =	sshll.u32 s26, $0x1;
	_ =	strace $0x80000046;
	[dreg:$0x1] =	wrdreg $0xFFFFFFFF  }
0xad: {  	s28 =	simm.s32 $_size_execute0_lowered;
	s5 =	sadd.s32 s5, s6;
	[dreg:$0x0] =	wrdreg $0x0  }
0xae: {  	s6 =	sshll.u32 s28, $0x1;
	[dreg:$0x2] =	wrdreg s5  }
0xaf: {  	[dreg:$0x3] =	wrdreg s6  }
0xb0: {  	[dreg:$0x4] =	wrdreg $0xC0  }
0xb1: {  	_ =	task [dreg:s9], $0x5FFFF  }
0xb2: {  	[dreg:$0x1] =	wrdreg $0xFFFFFFFF  }
0xb3: {  	[dreg:$0x0] =	wrdreg $0x60  }
0xb4: {  	[dreg:$0x2] =	wrdreg s16  }
0xb5: {  	[dreg:$0x3] =	wrdreg s17  }
0xb6: {  	[dreg:$0x4] =	wrdreg s18  }
0xb7: {  	[dreg:$0x5] =	wrdreg $0x9  }
0xb8: {  	_ =	task.clear_ibuf [dreg:s9], $0x6FFFF;
	_ =	strace $0x90000046  }
0xb9: {  	s29 =	simm.s32 $0x9;
	_ =	strace $0x80000048  }
0xba: {  	_ =	swait.ge [sflag:s29], $0x1  }
0xbb: {  	[sflag:s29] =	ssyncadd.s32 $0xFFFFFFFF  }
0xbc: {  	_ =	strace $0x90000048  }
0xbd: {  	_ =	sfence  }
0xbe: {  	s30 =	sld [smem:$0x0];
	_ =	sdelay $0x2  }
0xbf: {  	s31 =	sshll.u32 s1, $0xD;
	s1 =	sshrl.u32 s1, $0x2  }
0xc0: {  	s3 =	sand.u32 $0x4000, s31;
	s1 =	sadd.s32 s1, s30  }
0xc1: {  	s0 =	sor.u32 s3, s0;
	s1 =	sshll.u32 s1, $0x11  }
0xc2: {  	s0 =	sor.u32 s1, s0  }
0xc3: {  	s0 =	sadd.s32 $0x8F2B, s0  }
0xc4: {  	[sflag:s0] =	ssyncadd.remote.s32 $0x1  }
0xc5: {  	_ =	sfence.sel $0xFFFF  }
0xc6: {  	[dreg:$0x0] =	wrdreg $0xFFFFFFFF;
	(pc) =	sbr.abs _section_cstart, $3  }
0xc7: {  	[dreg:$0x1] =	wrdreg $0xFFFFFFFF  }
0xc8: {  	_ =	task.clear_ibuf [dreg:s9], $0x2FFFF;
	_ =	strace $0x9FFFFFFF  }
0xc9: {  	(tm) =	ssettm $0x7FFFFFFF  }
tec
execute0_lowered:
.L_overlay_start_1:
0x0: {  	(tag) =	ssettag $0x1  }
0x1: {  	s1 =	rddreg [dreg:$0x0]  }
0x2: {  	s2 =	srdreg.scid;
	s4 =	rddreg [dreg:$0x1]  }
0x3: {  	s0 =	stileid.u32;
	s5 =	rddreg [dreg:$0x2]  }
0x4: {  	s3 =	simm.s32 $0x0;
	s19 =	simm.s32 $0x900;
	s20 =	simm.s32 $0x1100  }
0x5: {  	s21 =	simm.s32 $0x1900;
	s23 =	simm.s32 $0x2100;
	s24 =	simm.s32 $0x2900  }
0x6: {  	s25 =	simm.s32 $0x3100;
	s26 =	simm.s32 $0x3900;
	s8 =	simm.s32 $0x4900  }
0x7: {  	s9 =	simm.s32 $0x5100;
	s10 =	simm.s32 $0x5900;
	s11 =	simm.s32 $0x6100  }
0x8: {  	s12 =	simm.s32 $0x6900;
	s13 =	simm.s32 $0x7100;
	[smem:$0x7FF] =	sst s3  }
0x9: {  	s14 =	simm.s32 $0x7900;
	_ =	strace $0x80000047;
	[dreg:$0x6] =	wrdreg s19  }
0xa: {  	s15 =	simm.s32 $0x8100;
	s16 =	simm.s32 $0x8900;
	[dreg:$0x7] =	wrdreg s20  }
0xb: {  	s17 =	simm.s32 $0x9100;
	s28 =	simm.s32 $0xE100;
	[dreg:$0x8] =	wrdreg s21  }
0xc: {  	s29 =	simm.s32 $0xE900;
	s30 =	simm.s32 $0xF100;
	[dreg:$0x9] =	wrdreg s23  }
0xd: {  	s31 =	simm.s32 $0xF900;
	s2 =	sand.u32 $0x1, s2;
	[dreg:$0xa] =	wrdreg s24  }
0xe: {  	s6 =	sshll.u32 s0, $0x9;
	s7 =	sshll.u32 s2, $0x8;
	[dreg:$0xb] =	wrdreg s25  }
0xf: {  	s2 =	ssub.s32 $0x2, s2;
	[dreg:$0xc] =	wrdreg s26;
	s19 =	simm.s32 $0xA100  }
0x10: {  	s20 =	simm.s32 $0xA900;
	s21 =	simm.s32 $0xB100;
	s23 =	simm.s32 $0xC100  }
0x11: {  	s24 =	simm.s32 $0xC900;
	s25 =	simm.s32 $0xD100;
	s6 =	sor.u32 s7, s6  }
0x12: {  	s26 =	simm.s32 $0xD900;
	s22 =	sshrl.u32 s2, $0x1;
	s7 =	sshrl.u32 s6, $0x3  }
0x13: {  	s6 =	sshll.u32 s6, $0x5;
	s2 =	ssub.s32 s2, s22;
	s4 =	sadd.s32 s4, s7  }
0x14: {  	v2 =	vlaneseq.u32;
	s22 =	simm.s32 $0xB900;
	s18 =	sadd.s32 s5, s6;
	[dreg:$0x4] =	wrdreg s4  }
0x15: {  	vm0 =	vmmov $0xffff;
	v1 =	vshrl.u32 v2, $0x3;
	s5 =	simm.s32 $0x2;
	s6 =	simm.s32 $0x100;
	[dreg:$0x5] =	wrdreg s18  }
0x16: {  	v0 =	vand.u32 $0x7, v2;
	v2 =	vor.u32 $0x8, v2;
	v1 =	vmul.u32 $0x8, v1;
	s4 =	smax.u32 s2, $0x1;
	s18 =	simm.s32 $0x9900;
	s2 =	simm.s32 $0x1  }
.LBB2_1:
0x17: {  	s0 =	rddreg [dreg:$0x4]  }
0x18: {  	[tilespmem:s3], [sflag:$0x2] =	stream.linear.gather [hbm4b:s0+s3], $0x100, $0x38;
	[tilespmem:$0x10100] =	vst v63  }
0x19: {  	_ =	swait.ge [sflag:s5], $0x100  }
0x1a: {  	[sflag:s5] =	ssyncset.done $0x0  }
0x1b: {  	[sflag:s5] =	ssyncadd.s32 $0xFFFFFF00  }
0x1c: {  	v3 =	vld [tilespmem:$0x0];
	_ =	sdelay $0x4  }
0x1d: {  	v4 =	vshll.u32 v3, $0x1  }
0x1e: {  	v3 =	vand.u32 $0x7, v3;
	v4 =	vand.u32 $0xFFFFFFF0, v4  }
0x1f: {  	v3 =	vor.u32 v3, v4  }
0x20: {  	v4 =	vperm.xlane v3, v0;
	_ =	sdelay $0x1  }
0x21: {  	v3 =	vperm.xlane v3, v2;
	v4 =	vadd.s32 v1, v4;
	_ =	sdelay $0x1  }
0x22: {  	v3 =	vadd.s32 v1, v3;
	_ =	sdelay $0x2  }
0x23: {  	[tilespmem:s6], [sflag:$0x1] =	stream.indirect_vreg.gather [hbm4b:s1+s3], $0x80, v4, vm0, $0xb8;
	[tilespmem:$0x10100] =	vst v63  }
0x24: {  	s7 =	rddreg [dreg:$0x6]  }
0x25: {  	[tilespmem:s7], [sflag:$0x1] =	stream.indirect_vreg.gather [hbm4b:s1+s3], $0x80, v3, vm0, $0xb8;
	[tilespmem:$0x10100] =	vst v63  }
0x26: {  	v3 =	vld [tilespmem:$0x10];
	_ =	sdelay $0x4  }
0x27: {  	v49 =	vshll.u32 v3, $0x1  }
0x28: {  	v3 =	vand.u32 $0x7, v3;
	v4 =	vand.u32 $0xFFFFFFF0, v49  }
0x29: {  	v3 =	vor.u32 v3, v4  }
0x2a: {  	v4 =	vperm.xlane v3, v0;
	_ =	sdelay $0x1  }
0x2b: {  	v3 =	vperm.xlane v3, v2;
	v4 =	vadd.s32 v1, v4;
	_ =	sdelay $0x1  }
0x2c: {  	v3 =	vadd.s32 v1, v3;
	_ =	sdelay $0x1  }
0x2d: {  	s0 =	rddreg [dreg:$0x7]  }
0x2e: {  	[tilespmem:s0], [sflag:$0x1] =	stream.indirect_vreg.gather [hbm4b:s1+s3], $0x80, v4, vm0, $0xb8;
	[tilespmem:$0x10100] =	vst v63  }
0x2f: {  	s7 =	rddreg [dreg:$0x8]  }
0x30: {  	[tilespmem:s7], [sflag:$0x1] =	stream.indirect_vreg.gather [hbm4b:s1+s3], $0x80, v3, vm0, $0xb8;
	[tilespmem:$0x10100] =	vst v63  }
0x31: {  	v3 =	vld [tilespmem:$0x20];
	_ =	sdelay $0x4  }
0x32: {  	v50 =	vshll.u32 v3, $0x1  }
0x33: {  	v3 =	vand.u32 $0x7, v3;
	v4 =	vand.u32 $0xFFFFFFF0, v50  }
0x34: {  	v3 =	vor.u32 v3, v4  }
0x35: {  	v4 =	vperm.xlane v3, v0;
	_ =	sdelay $0x1  }
0x36: {  	v3 =	vperm.xlane v3, v2;
	v4 =	vadd.s32 v1, v4;
	_ =	sdelay $0x1  }
0x37: {  	v3 =	vadd.s32 v1, v3;
	_ =	sdelay $0x1  }
0x38: {  	s0 =	rddreg [dreg:$0x9]  }
0x39: {  	[tilespmem:s0], [sflag:$0x1] =	stream.indirect_vreg.gather [hbm4b:s1+s3], $0x80, v4, vm0, $0xb8;
	[tilespmem:$0x10100] =	vst v63  }
0x3a: {  	s7 =	rddreg [dreg:$0xa]  }
0x3b: {  	[tilespmem:s7], [sflag:$0x1] =	stream.indirect_vreg.gather [hbm4b:s1+s3], $0x80, v3, vm0, $0xb8;
	[tilespmem:$0x10100] =	vst v63  }
0x3c: {  	v3 =	vld [tilespmem:$0x30];
	_ =	sdelay $0x4  }
0x3d: {  	v51 =	vshll.u32 v3, $0x1  }
0x3e: {  	v3 =	vand.u32 $0x7, v3;
	v4 =	vand.u32 $0xFFFFFFF0, v51  }
0x3f: {  	v3 =	vor.u32 v3, v4  }
0x40: {  	v4 =	vperm.xlane v3, v0;
	_ =	sdelay $0x1  }
0x41: {  	v3 =	vperm.xlane v3, v2;
	v4 =	vadd.s32 v1, v4;
	_ =	sdelay $0x1  }
0x42: {  	v3 =	vadd.s32 v1, v3;
	_ =	sdelay $0x1  }
0x43: {  	s0 =	rddreg [dreg:$0xb]  }
0x44: {  	[tilespmem:s0], [sflag:$0x1] =	stream.indirect_vreg.gather [hbm4b:s1+s3], $0x80, v4, vm0, $0xb8;
	[tilespmem:$0x10100] =	vst v63  }
0x45: {  	s7 =	rddreg [dreg:$0xc]  }
0x46: {  	[tilespmem:s7], [sflag:$0x1] =	stream.indirect_vreg.gather [hbm4b:s1+s3], $0x80, v3, vm0, $0xb8;
	[tilespmem:$0x10100] =	vst v63  }
0x47: {  	v3 =	vld [tilespmem:$0x40];
	_ =	sdelay $0x4  }
0x48: {  	v52 =	vshll.u32 v3, $0x1  }
0x49: {  	v3 =	vand.u32 $0x7, v3;
	v4 =	vand.u32 $0xFFFFFFF0, v52  }
0x4a: {  	v3 =	vor.u32 v3, v4  }
0x4b: {  	v4 =	vperm.xlane v3, v0;
	_ =	sdelay $0x1  }
0x4c: {  	v3 =	vperm.xlane v3, v2;
	v4 =	vadd.s32 v1, v4;
	_ =	sdelay $0x1  }
0x4d: {  	v3 =	vadd.s32 v1, v3;
	_ =	sdelay $0x1  }
0x4e: {  	s7 =	simm.s32 $0x4100  }
0x4f: {  	[tilespmem:s7], [sflag:$0x1] =	stream.indirect_vreg.gather [hbm4b:s1+s3], $0x80, v4, vm0, $0xb8;
	[tilespmem:$0x10100] =	vst v63  }
0x50: {  	_ = 	snop  }
0x51: {  	[tilespmem:s8], [sflag:$0x1] =	stream.indirect_vreg.gather [hbm4b:s1+s3], $0x80, v3, vm0, $0xb8;
	[tilespmem:$0x10100] =	vst v63  }
0x52: {  	v3 =	vld [tilespmem:$0x50];
	_ =	sdelay $0x4  }
0x53: {  	v53 =	vshll.u32 v3, $0x1  }
0x54: {  	v3 =	vand.u32 $0x7, v3;
	v4 =	vand.u32 $0xFFFFFFF0, v53  }
0x55: {  	v3 =	vor.u32 v3, v4  }
0x56: {  	v4 =	vperm.xlane v3, v0;
	_ =	sdelay $0x1  }
0x57: {  	v3 =	vperm.xlane v3, v2;
	v4 =	vadd.s32 v1, v4;
	_ =	sdelay $0x1  }
0x58: {  	v3 =	vadd.s32 v1, v3;
	_ =	sdelay $0x2  }
0x59: {  	[tilespmem:s9], [sflag:$0x1] =	stream.indirect_vreg.gather [hbm4b:s1+s3], $0x80, v4, vm0, $0xb8;
	[tilespmem:$0x10100] =	vst v63  }
0x5a: {  	_ = 	snop  }
0x5b: {  	[tilespmem:s10], [sflag:$0x1] =	stream.indirect_vreg.gather [hbm4b:s1+s3], $0x80, v3, vm0, $0xb8;
	[tilespmem:$0x10100] =	vst v63  }
0x5c: {  	v3 =	vld [tilespmem:$0x60];
	_ =	sdelay $0x4  }
0x5d: {  	v54 =	vshll.u32 v3, $0x1  }
0x5e: {  	v3 =	vand.u32 $0x7, v3;
	v4 =	vand.u32 $0xFFFFFFF0, v54  }
0x5f: {  	v3 =	vor.u32 v3, v4  }
0x60: {  	v4 =	vperm.xlane v3, v0;
	_ =	sdelay $0x1  }
0x61: {  	v3 =	vperm.xlane v3, v2;
	v4 =	vadd.s32 v1, v4;
	_ =	sdelay $0x1  }
0x62: {  	v3 =	vadd.s32 v1, v3;
	_ =	sdelay $0x2  }
0x63: {  	[tilespmem:s11], [sflag:$0x1] =	stream.indirect_vreg.gather [hbm4b:s1+s3], $0x80, v4, vm0, $0xb8;
	[tilespmem:$0x10100] =	vst v63  }
0x64: {  	_ = 	snop  }
0x65: {  	[tilespmem:s12], [sflag:$0x1] =	stream.indirect_vreg.gather [hbm4b:s1+s3], $0x80, v3, vm0, $0xb8;
	[tilespmem:$0x10100] =	vst v63  }
0x66: {  	v3 =	vld [tilespmem:$0x70];
	_ =	sdelay $0x4  }
0x67: {  	v55 =	vshll.u32 v3, $0x1  }
0x68: {  	v3 =	vand.u32 $0x7, v3;
	v4 =	vand.u32 $0xFFFFFFF0, v55  }
0x69: {  	v3 =	vor.u32 v3, v4  }
0x6a: {  	v4 =	vperm.xlane v3, v0;
	_ =	sdelay $0x1  }
0x6b: {  	v3 =	vperm.xlane v3, v2;
	v4 =	vadd.s32 v1, v4;
	_ =	sdelay $0x1  }
0x6c: {  	v3 =	vadd.s32 v1, v3;
	_ =	sdelay $0x2  }
0x6d: {  	[tilespmem:s13], [sflag:$0x1] =	stream.indirect_vreg.gather [hbm4b:s1+s3], $0x80, v4, vm0, $0xb8;
	[tilespmem:$0x10100] =	vst v63  }
0x6e: {  	_ = 	snop  }
0x6f: {  	[tilespmem:s14], [sflag:$0x1] =	stream.indirect_vreg.gather [hbm4b:s1+s3], $0x80, v3, vm0, $0xb8;
	[tilespmem:$0x10100] =	vst v63  }
0x70: {  	v3 =	vld [tilespmem:$0x80];
	_ =	sdelay $0x4  }
0x71: {  	v56 =	vshll.u32 v3, $0x1  }
0x72: {  	v3 =	vand.u32 $0x7, v3;
	v4 =	vand.u32 $0xFFFFFFF0, v56  }
0x73: {  	v3 =	vor.u32 v3, v4  }
0x74: {  	v4 =	vperm.xlane v3, v0;
	_ =	sdelay $0x1  }
0x75: {  	v3 =	vperm.xlane v3, v2;
	v4 =	vadd.s32 v1, v4;
	_ =	sdelay $0x1  }
0x76: {  	v3 =	vadd.s32 v1, v3;
	_ =	sdelay $0x2  }
0x77: {  	[tilespmem:s15], [sflag:$0x1] =	stream.indirect_vreg.gather [hbm4b:s1+s3], $0x80, v4, vm0, $0xb8;
	[tilespmem:$0x10100] =	vst v63  }
0x78: {  	_ = 	snop  }
0x79: {  	[tilespmem:s16], [sflag:$0x1] =	stream.indirect_vreg.gather [hbm4b:s1+s3], $0x80, v3, vm0, $0xb8;
	[tilespmem:$0x10100] =	vst v63  }
0x7a: {  	v3 =	vld [tilespmem:$0x90];
	_ =	sdelay $0x4  }
0x7b: {  	v57 =	vshll.u32 v3, $0x1  }
0x7c: {  	v3 =	vand.u32 $0x7, v3;
	v4 =	vand.u32 $0xFFFFFFF0, v57  }
0x7d: {  	v3 =	vor.u32 v3, v4  }
0x7e: {  	v4 =	vperm.xlane v3, v0;
	_ =	sdelay $0x1  }
0x7f: {  	v3 =	vperm.xlane v3, v2;
	v4 =	vadd.s32 v1, v4;
	_ =	sdelay $0x1  }
0x80: {  	v3 =	vadd.s32 v1, v3;
	_ =	sdelay $0x2  }
0x81: {  	[tilespmem:s17], [sflag:$0x1] =	stream.indirect_vreg.gather [hbm4b:s1+s3], $0x80, v4, vm0, $0xb8;
	[tilespmem:$0x10100] =	vst v63  }
0x82: {  	_ = 	snop  }
0x83: {  	[tilespmem:s18], [sflag:$0x1] =	stream.indirect_vreg.gather [hbm4b:s1+s3], $0x80, v3, vm0, $0xb8;
	[tilespmem:$0x10100] =	vst v63  }
0x84: {  	v3 =	vld [tilespmem:$0xA0];
	_ =	sdelay $0x4  }
0x85: {  	v58 =	vshll.u32 v3, $0x1  }
0x86: {  	v3 =	vand.u32 $0x7, v3;
	v4 =	vand.u32 $0xFFFFFFF0, v58  }
0x87: {  	v3 =	vor.u32 v3, v4  }
0x88: {  	v4 =	vperm.xlane v3, v0;
	_ =	sdelay $0x1  }
0x89: {  	v3 =	vperm.xlane v3, v2;
	v4 =	vadd.s32 v1, v4;
	_ =	sdelay $0x1  }
0x8a: {  	v3 =	vadd.s32 v1, v3;
	_ =	sdelay $0x2  }
0x8b: {  	[tilespmem:s19], [sflag:$0x1] =	stream.indirect_vreg.gather [hbm4b:s1+s3], $0x80, v4, vm0, $0xb8;
	[tilespmem:$0x10100] =	vst v63  }
0x8c: {  	_ = 	snop  }
0x8d: {  	[tilespmem:s20], [sflag:$0x1] =	stream.indirect_vreg.gather [hbm4b:s1+s3], $0x80, v3, vm0, $0xb8;
	[tilespmem:$0x10100] =	vst v63  }
0x8e: {  	v3 =	vld [tilespmem:$0xB0];
	_ =	sdelay $0x4  }
0x8f: {  	v59 =	vshll.u32 v3, $0x1  }
0x90: {  	v3 =	vand.u32 $0x7, v3;
	v4 =	vand.u32 $0xFFFFFFF0, v59  }
0x91: {  	v3 =	vor.u32 v3, v4  }
0x92: {  	v4 =	vperm.xlane v3, v0;
	_ =	sdelay $0x1  }
0x93: {  	v3 =	vperm.xlane v3, v2;
	v4 =	vadd.s32 v1, v4;
	_ =	sdelay $0x1  }
0x94: {  	v3 =	vadd.s32 v1, v3;
	_ =	sdelay $0x2  }
0x95: {  	[tilespmem:s21], [sflag:$0x1] =	stream.indirect_vreg.gather [hbm4b:s1+s3], $0x80, v4, vm0, $0xb8;
	[tilespmem:$0x10100] =	vst v63  }
0x96: {  	_ = 	snop  }
0x97: {  	[tilespmem:s22], [sflag:$0x1] =	stream.indirect_vreg.gather [hbm4b:s1+s3], $0x80, v3, vm0, $0xb8;
	[tilespmem:$0x10100] =	vst v63  }
0x98: {  	v3 =	vld [tilespmem:$0xC0];
	_ =	sdelay $0x4  }
0x99: {  	v60 =	vshll.u32 v3, $0x1  }
0x9a: {  	v3 =	vand.u32 $0x7, v3;
	v4 =	vand.u32 $0xFFFFFFF0, v60  }
0x9b: {  	v3 =	vor.u32 v3, v4  }
0x9c: {  	v4 =	vperm.xlane v3, v0;
	_ =	sdelay $0x1  }
0x9d: {  	v3 =	vperm.xlane v3, v2;
	v4 =	vadd.s32 v1, v4;
	_ =	sdelay $0x1  }
0x9e: {  	v3 =	vadd.s32 v1, v3;
	_ =	sdelay $0x2  }
0x9f: {  	[tilespmem:s23], [sflag:$0x1] =	stream.indirect_vreg.gather [hbm4b:s1+s3], $0x80, v4, vm0, $0xb8;
	[tilespmem:$0x10100] =	vst v63  }
0xa0: {  	_ = 	snop  }
0xa1: {  	[tilespmem:s24], [sflag:$0x1] =	stream.indirect_vreg.gather [hbm4b:s1+s3], $0x80, v3, vm0, $0xb8;
	[tilespmem:$0x10100] =	vst v63  }
0xa2: {  	v3 =	vld [tilespmem:$0xD0];
	_ =	sdelay $0x4  }
0xa3: {  	v61 =	vshll.u32 v3, $0x1  }
0xa4: {  	v3 =	vand.u32 $0x7, v3;
	v4 =	vand.u32 $0xFFFFFFF0, v61  }
0xa5: {  	v3 =	vor.u32 v3, v4  }
0xa6: {  	v4 =	vperm.xlane v3, v0;
	_ =	sdelay $0x1  }
0xa7: {  	v3 =	vperm.xlane v3, v2;
	v4 =	vadd.s32 v1, v4;
	_ =	sdelay $0x1  }
0xa8: {  	v3 =	vadd.s32 v1, v3;
	_ =	sdelay $0x2  }
0xa9: {  	[tilespmem:s25], [sflag:$0x1] =	stream.indirect_vreg.gather [hbm4b:s1+s3], $0x80, v4, vm0, $0xb8;
	[tilespmem:$0x10100] =	vst v63  }
0xaa: {  	_ = 	snop  }
0xab: {  	[tilespmem:s26], [sflag:$0x1] =	stream.indirect_vreg.gather [hbm4b:s1+s3], $0x80, v3, vm0, $0xb8;
	[tilespmem:$0x10100] =	vst v63  }
0xac: {  	v3 =	vld [tilespmem:$0xE0];
	_ =	sdelay $0x4  }
0xad: {  	v62 =	vshll.u32 v3, $0x1  }
0xae: {  	v3 =	vand.u32 $0x7, v3;
	v4 =	vand.u32 $0xFFFFFFF0, v62  }
0xaf: {  	v3 =	vor.u32 v3, v4  }
0xb0: {  	v4 =	vperm.xlane v3, v0;
	_ =	sdelay $0x1  }
0xb1: {  	v3 =	vperm.xlane v3, v2;
	v4 =	vadd.s32 v1, v4;
	_ =	sdelay $0x1  }
0xb2: {  	v3 =	vadd.s32 v1, v3;
	_ =	sdelay $0x2  }
0xb3: {  	[tilespmem:s28], [sflag:$0x1] =	stream.indirect_vreg.gather [hbm4b:s1+s3], $0x80, v4, vm0, $0xb8;
	[tilespmem:$0x10100] =	vst v63  }
0xb4: {  	_ = 	snop  }
0xb5: {  	[tilespmem:s29], [sflag:$0x1] =	stream.indirect_vreg.gather [hbm4b:s1+s3], $0x80, v3, vm0, $0xb8;
	[tilespmem:$0x10100] =	vst v63  }
0xb6: {  	v3 =	vld [tilespmem:$0xF0];
	_ =	sdelay $0x4  }
0xb7: {  	v63 =	vshll.u32 v3, $0x1  }
0xb8: {  	v3 =	vand.u32 $0x7, v3;
	v4 =	vand.u32 $0xFFFFFFF0, v63  }
0xb9: {  	v3 =	vor.u32 v3, v4  }
0xba: {  	v4 =	vperm.xlane v3, v0;
	_ =	sdelay $0x1  }
0xbb: {  	v3 =	vperm.xlane v3, v2;
	v4 =	vadd.s32 v1, v4;
	_ =	sdelay $0x1  }
0xbc: {  	v3 =	vadd.s32 v1, v3;
	_ =	sdelay $0x2  }
0xbd: {  	[tilespmem:s30], [sflag:$0x1] =	stream.indirect_vreg.gather [hbm4b:s1+s3], $0x80, v4, vm0, $0xb8;
	[tilespmem:$0x10100] =	vst v63  }
0xbe: {  	_ = 	snop  }
0xbf: {  	[tilespmem:s31], [sflag:$0x1] =	stream.indirect_vreg.gather [hbm4b:s1+s3], $0x80, v3, vm0, $0xb8;
	[tilespmem:$0x10100] =	vst v63  }
0xc0: {  	_ =	swait.ge [sflag:s2], $0x10000  }
0xc1: {  	p0 =	sne.s32 s4, $0x1;
	[sflag:s2] =	ssyncset.done $0x0  }
.Ltmp0:
0xc2: {  	s7 =	rddreg [dreg:$0x5];
	[sflag:s2] =	ssyncadd.s32 $0xFFFF0000;
	(pc) =	sbr.rel @p0 .LBB2_1-.Ltmp0, $4  }
0xc3: {  	[hbm4b:s7+s3] =	stream.linear.scatter [tilespmem:s6], [sflag:$0x2], $0x10000, $0x38;
	[tilespmem:$0x10100] =	vst v63  }
0xc4: {  	_ =	swait.ge [sflag:s5], $0x10000  }
0xc5: {  	[sflag:s5] =	ssyncset.done $0x0  }
0xc6: {  	s4 =	sadd.s32 $0xFFFFFFFF, s4;
	[sflag:s5] =	ssyncadd.s32 $0xFFFF0000  }
0xc7: {  	_ =	sfence.sel $0x180000  }
0xc8: {  	[bflag:$0x0] =	sbarrier.arrive $0xFFFF  }
0xc9: {  	_ =	strace $0x90000047  }
0xca: {  	s0 =	stileid.u32;
	[bflag:$0x2] =	sbarrier.arrive $0xFFFF  }
0xcb: {  	p0 =	sne.s32 s0, $0x0;
	s0 =	rddreg [dreg:$0x3]  }
0xcc: {  	s0 =	sadd.s32 @!p0 $0x100000, s0  }
0xcd: {  	[sflag:s0] =	ssyncadd.tile.s32 @!p0 $0x1;
	_ =	shalt  }
.Lfunc_end2:
_tile_overlayer_lowered:
.L_overlay_start_2:
0xce: {  	(tag) =	ssettag $0x2  }
0xcf: {  	s0 =	rddreg [dreg:$0x0];
	s2 =	stileid.u32  }
0xd0: {  	s1 =	rddreg [dreg:$0x1];
	p0 =	sne.s32 s2, $0x0  }
0xd1: {  	s3 =	rddreg [dreg:$0x2];
	[bflag:$0x3] =	sbarrier.arrive $0xFFFF;
	s2 =	simm.s32 @!p0 $0x1C02  }
0xd2: {  	[timem:s3], [sflag:s2] =	dma.local @!p0 [hbm:s0], s1  }
0xd3: {  	s0 =	simm.s32 @!p0 $0x2  }
0xd4: {  	_ =	swait.ge @!p0 [sflag:s0], s1  }
0xd5: {  	s1 =	ssub.s32 @!p0 $0x0, s1;
	[sflag:s0] =	ssyncset.done @!p0 $0x0  }
0xd6: {  	[sflag:s0] =	ssyncadd.s32 @!p0 s1  }
0xd7: {  	[bflag:$0x3] =	sbarrier.arrive $0xFFFF  }
0xd8: {  	_ =	shalt  }

</sc_bundles>
